<compile_context>
chip_gen: v7x
topology: tpu7x:2x2x1
jax: 0.10.2.dev20260603
libtpu: 0.0.44.dev20260713+nightly
codegen_flags: <defaults>
</compile_context>

<pallas_src>
import functools

import jax
import jax.numpy as jnp
from jax import lax
from jax.experimental import pallas as pl
from jax.experimental.pallas import tpu as pltpu
from jax.experimental.pallas import tpu_sc as plsc

_NUM_CLS = 80
_POS_T = 0.5
_NEG_T = 0.4

_N = 100
_NP = 112
_B = 8
_A = 20000
_WPI = 4
_CHUNK = 1024
_NCHUNK = 5
_STRIDE = 4960
_GROUPS = _CHUNK // 16


def _sc_body(ann_hbm, anct_hbm, cls_hbm, reg_hbm, st_hbm,
             bx1_v, by1_v, bx2_v, by2_v, bar_v, bcl_v,
             ax1_v, ay1_v, ax2_v, ay2_v, cls_v, reg_v, st_v):
    wid = lax.axis_index("s") * 2 + lax.axis_index("c")
    b = wid // _WPI
    q = wid % _WPI

    ann0 = b * (6 * _NP)
    pltpu.sync_copy(ann_hbm.at[pl.ds(ann0 + 0 * _NP, _NP)], bx1_v)
    pltpu.sync_copy(ann_hbm.at[pl.ds(ann0 + 1 * _NP, _NP)], by1_v)
    pltpu.sync_copy(ann_hbm.at[pl.ds(ann0 + 2 * _NP, _NP)], bx2_v)
    pltpu.sync_copy(ann_hbm.at[pl.ds(ann0 + 3 * _NP, _NP)], by2_v)
    pltpu.sync_copy(ann_hbm.at[pl.ds(ann0 + 4 * _NP, _NP)], bar_v)
    pltpu.sync_copy(ann_hbm.at[pl.ds(ann0 + 5 * _NP, _NP)], bcl_v)

    iota = lax.iota(jnp.int32, 16)
    iota4 = iota * 4
    iota80 = iota * _NUM_CLS
    ones = jnp.ones((16,), jnp.float32)
    zeros16 = jnp.zeros((16,), jnp.float32)
    zeros16i = jnp.zeros((16,), jnp.int32)
    ones16i = jnp.ones((16,), jnp.int32)

    def chunk_body(c, carry):
        a0 = q * _STRIDE + c * _CHUNK
        pltpu.sync_copy(anct_hbm.at[pl.ds(0 * _A + a0, _CHUNK)], ax1_v)
        pltpu.sync_copy(anct_hbm.at[pl.ds(1 * _A + a0, _CHUNK)], ay1_v)
        pltpu.sync_copy(anct_hbm.at[pl.ds(2 * _A + a0, _CHUNK)], ax2_v)
        pltpu.sync_copy(anct_hbm.at[pl.ds(3 * _A + a0, _CHUNK)], ay2_v)

        def epilogue(g, ax1, ay1, ax2, ay2, aw, ah, bi, bS, bj):
            s = pl.ds(g * 16, 16)
            ua = bS - bi
            pos = bi >= _POS_T * ua
            ign = jnp.logical_and(bi > _NEG_T * ua, jnp.logical_not(pos))
            st_v[s] = jnp.where(pos, 1.0, jnp.where(ign, -1.0, 0.0))

            gx1 = plsc.load_gather(bx1_v, [bj])
            gy1 = plsc.load_gather(by1_v, [bj])
            gx2 = plsc.load_gather(bx2_v, [bj])
            gy2 = plsc.load_gather(by2_v, [bj])
            gcl = plsc.load_gather(bcl_v, [bj])

            s5w = 5.0 / aw
            s5h = 5.0 / ah
            i4 = iota4 + g * 64
            plsc.store_scatter(reg_v, [i4], (gx1 - ax1) * s5w)
            plsc.store_scatter(reg_v, [i4 + 1], (gy1 - ay1) * s5h)
            plsc.store_scatter(reg_v, [i4 + 2], (gx2 - ax2) * s5w)
            plsc.store_scatter(reg_v, [i4 + 3], (gy2 - ay2) * s5h)

            base = g * (16 * _NUM_CLS)
            for k in range(_NUM_CLS):
                cls_v[pl.ds(base + k * 16, 16)] = zeros16
            label = gcl.astype(jnp.int32)
            ci = iota80 + (base + label)
            plsc.store_scatter(cls_v, [ci], ones, mask=pos)

        def group_body(g2, carry2):
            gA = g2 * 2
            gB = gA + 1
            sA = pl.ds(gA * 16, 16)
            sB = pl.ds(gB * 16, 16)
            ax1A = ax1_v[sA]; ay1A = ay1_v[sA]; ax2A = ax2_v[sA]; ay2A = ay2_v[sA]
            ax1B = ax1_v[sB]; ay1B = ay1_v[sB]; ax2B = ax2_v[sB]; ay2B = ay2_v[sB]
            awA = ax2A - ax1A; ahA = ay2A - ay1A; aareaA = awA * ahA
            awB = ax2B - ax1B; ahB = ay2B - ay1B; aareaB = awB * ahB

            def box_body(j, st8):
                biA, bSA, bjA, biB, bSB, bjB, jv = st8
                bx1 = plsc.load_gather(bx1_v, [jv])
                by1 = plsc.load_gather(by1_v, [jv])
                bx2 = plsc.load_gather(bx2_v, [jv])
                by2 = plsc.load_gather(by2_v, [jv])
                bar = plsc.load_gather(bar_v, [jv])
                iwA = jnp.maximum(jnp.minimum(ax2A, bx2) - jnp.maximum(ax1A, bx1), 0.0)
                ihA = jnp.maximum(jnp.minimum(ay2A, by2) - jnp.maximum(ay1A, by1), 0.0)
                iwB = jnp.maximum(jnp.minimum(ax2B, bx2) - jnp.maximum(ax1B, bx1), 0.0)
                ihB = jnp.maximum(jnp.minimum(ay2B, by2) - jnp.maximum(ay1B, by1), 0.0)
                interA = iwA * ihA
                interB = iwB * ihB
                SA = aareaA + bar
                SB = aareaB + bar
                mA = interA * bSA > biA * SA
                mB = interB * bSB > biB * SB
                biA = jnp.where(mA, interA, biA)
                bSA = jnp.where(mA, SA, bSA)
                bjA = jnp.where(mA, jv, bjA)
                biB = jnp.where(mB, interB, biB)
                bSB = jnp.where(mB, SB, bSB)
                bjB = jnp.where(mB, jv, bjB)
                return (biA, bSA, bjA, biB, bSB, bjB, jv + ones16i)

            biA, bSA, bjA, biB, bSB, bjB, _jv = lax.fori_loop(
                0, _N, box_body,
                (zeros16, ones, zeros16i, zeros16, ones, zeros16i, zeros16i))

            epilogue(gA, ax1A, ay1A, ax2A, ay2A, awA, ahA, biA, bSA, bjA)
            epilogue(gB, ax1B, ay1B, ax2B, ay2B, awB, ahB, biB, bSB, bjB)
            return carry2

        lax.fori_loop(0, _GROUPS // 2, group_body, None)

        row0 = b * _A + a0
        pltpu.sync_copy(cls_v, cls_hbm.at[pl.ds(row0 * _NUM_CLS, _CHUNK * _NUM_CLS)])
        pltpu.sync_copy(reg_v, reg_hbm.at[pl.ds(row0 * 4, _CHUNK * 4)])
        pltpu.sync_copy(st_v, st_hbm.at[pl.ds(row0, _CHUNK)])
        return carry

    lax.fori_loop(0, _NCHUNK, chunk_body, None)


def _sc_call(ann_flat, anct_flat):
    mesh = plsc.VectorSubcoreMesh(core_axis_name="c", subcore_axis_name="s")
    f = functools.partial(
        pl.kernel,
        out_type=[
            jax.ShapeDtypeStruct((_B * _A * _NUM_CLS,), jnp.float32),
            jax.ShapeDtypeStruct((_B * _A * 4,), jnp.float32),
            jax.ShapeDtypeStruct((_B * _A,), jnp.float32),
        ],
        mesh=mesh,
        compiler_params=pltpu.CompilerParams(needs_layout_passes=False),
        scratch_types=[
            pltpu.VMEM((_NP,), jnp.float32),
            pltpu.VMEM((_NP,), jnp.float32),
            pltpu.VMEM((_NP,), jnp.float32),
            pltpu.VMEM((_NP,), jnp.float32),
            pltpu.VMEM((_NP,), jnp.float32),
            pltpu.VMEM((_NP,), jnp.float32),
            pltpu.VMEM((_CHUNK,), jnp.float32),
            pltpu.VMEM((_CHUNK,), jnp.float32),
            pltpu.VMEM((_CHUNK,), jnp.float32),
            pltpu.VMEM((_CHUNK,), jnp.float32),
            pltpu.VMEM((_CHUNK * _NUM_CLS,), jnp.float32),
            pltpu.VMEM((_CHUNK * 4,), jnp.float32),
            pltpu.VMEM((_CHUNK,), jnp.float32),
        ],
    )(_sc_body)
    return f(ann_flat, anct_flat)


def kernel(annotations_batch, anchors):
    B, N, _ = annotations_batch.shape
    A = anchors.shape[0]
    assert (B, N, A) == (_B, _N, _A)
    boxes = annotations_batch[:, :, :4]
    barea = ((boxes[:, :, 2] - boxes[:, :, 0])
             * (boxes[:, :, 3] - boxes[:, :, 1]))[:, :, None]
    ann_rows = jnp.concatenate(
        [boxes, barea, annotations_batch[:, :, 4:5]], axis=-1)
    ann_t = jnp.transpose(ann_rows, (0, 2, 1))
    ann_t = jnp.pad(ann_t, ((0, 0), (0, 0), (0, _NP - _N)))
    ann_flat = ann_t.reshape(-1)
    anct_flat = jnp.transpose(anchors, (1, 0)).reshape(-1)
    cls, reg, st = _sc_call(ann_flat, anct_flat)
    return (cls.reshape(B, A, _NUM_CLS), reg.reshape(B, A, 4), st.reshape(B, A))

# --- scband reference (transcript-rebuilt; emitter-appended) ---
"""Pipeline reference for scband-compute-targets-34815004902004 (READ-ONLY COPY).

The authoritative reference and input builder live on the scoring server;
editing this copy changes nothing except your own understanding.
"""

import jax, jax.numpy as jnp
import numpy as np

NUM_CLASSES = 80
POSITIVE_OVERLAP = 0.5
NEGATIVE_OVERLAP = 0.4


def setup_inputs(seed: int = 0) -> dict:
    key = jax.random.key(seed)
    k1, k2, k3, k4, k5 = jax.random.split(key, 5)
    B, N, A = 8, 100, 20000
    # Valid annotation boxes (x1, y1, x2, y2, class) in a 512x512 image
    cxy = jax.random.uniform(k1, (B, N, 2), minval=0.0, maxval=512.0)
    wh = jax.random.uniform(k2, (B, N, 2), minval=10.0, maxval=120.0)
    cls = jax.random.randint(k3, (B, N, 1), 0, NUM_CLASSES).astype(jnp.float32)
    annotations_batch = jnp.concatenate([cxy - wh / 2, cxy + wh / 2, cls], axis=-1)
    # Valid anchor boxes
    acxy = jax.random.uniform(k4, (A, 2), minval=0.0, maxval=512.0)
    awh = jax.random.uniform(k5, (A, 2), minval=16.0, maxval=256.0)
    anchors = jnp.concatenate([acxy - awh / 2, acxy + awh / 2], axis=-1)
    return {"annotations_batch": annotations_batch, "anchors": anchors}


def _compute_overlap(anchors, boxes):
    # anchors: [A, 4], boxes: [N, 4] -> IoU [A, N]
    box_area = (boxes[:, 2] - boxes[:, 0]) * (boxes[:, 3] - boxes[:, 1])  # [N]
    anc_area = (anchors[:, 2] - anchors[:, 0]) * (anchors[:, 3] - anchors[:, 1])  # [A]
    iw = jnp.minimum(anchors[:, None, 2], boxes[None, :, 2]) - jnp.maximum(anchors[:, None, 0], boxes[None, :, 0])
    ih = jnp.minimum(anchors[:, None, 3], boxes[None, :, 3]) - jnp.maximum(anchors[:, None, 1], boxes[None, :, 1])
    iw = jnp.maximum(iw, 0.0)
    ih = jnp.maximum(ih, 0.0)
    inter = iw * ih
    ua = anc_area[:, None] + box_area[None, :] - inter
    ua = jnp.maximum(ua, jnp.finfo(jnp.float32).eps)
    return inter / ua


def _anchor_targets_bbox(anchors, annotations, num_classes, positive_overlap, negative_overlap):
    boxes = annotations[:, :4]
    overlaps = _compute_overlap(anchors, boxes)  # [A, N] -- gather/argmax heavy
    argmax_overlaps = jnp.argmax(overlaps, axis=1)  # [A]
    max_overlaps = jnp.take_along_axis(overlaps, argmax_overlaps[:, None], axis=1)[:, 0]
    positive = max_overlaps >= positive_overlap
    ignore = jnp.logical_and(max_overlaps > negative_overlap, jnp.logical_not(positive))
    anchor_states = jnp.where(positive, 1.0, jnp.where(ignore, -1.0, 0.0))
    labels = jnp.take(annotations[:, 4], argmax_overlaps, axis=0).astype(jnp.int32)  # gather
    cls_target = jax.nn.one_hot(labels, num_classes, dtype=jnp.float32)  # scatter-style one-hot
    cls_target = cls_target * positive[:, None].astype(jnp.float32)
    bbox_target = jnp.take(boxes, argmax_overlaps, axis=0)  # gather [A, 4]
    return cls_target, bbox_target, anchor_states


def _bbox_transform(anchors, gt_boxes, mean=0.0, std=0.2):
    aw = anchors[:, 2] - anchors[:, 0]
    ah = anchors[:, 3] - anchors[:, 1]
    t = jnp.stack([
        (gt_boxes[:, 0] - anchors[:, 0]) / aw,
        (gt_boxes[:, 1] - anchors[:, 1]) / ah,
        (gt_boxes[:, 2] - anchors[:, 2]) / aw,
        (gt_boxes[:, 3] - anchors[:, 3]) / ah,
    ], axis=1)
    return (t - mean) / std


def reference(annotations_batch, anchors):
    def per_image(annotations):
        cls_target, bbox_target, anchor_states = _anchor_targets_bbox(
            anchors, annotations, NUM_CLASSES, POSITIVE_OVERLAP, NEGATIVE_OVERLAP)
        reg_target = _bbox_transform(anchors, bbox_target)
        return cls_target, reg_target, anchor_states

    cls_batch, reg_batch, states_batch = jax.vmap(per_image)(annotations_batch)
    return cls_batch, reg_batch, states_batch

if __name__ == "__main__":
    import jax
    _d = setup_inputs()
    print(jax.jit(kernel)(*tuple(_d.values())))

</pallas_src>

<mosaic_0001>
#map = affine_map<(d0, d1) -> (0)>
module attributes {stable_mosaic.version = 14 : i64} {
  func.func @_sc_body(%arg0: i32, %arg1: i32, %arg2: memref<5376xf32, #tpu.memory_space<hbm>>, %arg3: memref<80000xf32, #tpu.memory_space<hbm>>, %arg4: memref<12800000xf32, #tpu.memory_space<hbm>>, %arg5: memref<640000xf32, #tpu.memory_space<hbm>>, %arg6: memref<160000xf32, #tpu.memory_space<hbm>>, %arg7: memref<112xf32, #tpu.memory_space<vmem>>, %arg8: memref<112xf32, #tpu.memory_space<vmem>>, %arg9: memref<112xf32, #tpu.memory_space<vmem>>, %arg10: memref<112xf32, #tpu.memory_space<vmem>>, %arg11: memref<112xf32, #tpu.memory_space<vmem>>, %arg12: memref<112xf32, #tpu.memory_space<vmem>>, %arg13: memref<1024xf32, #tpu.memory_space<vmem>>, %arg14: memref<1024xf32, #tpu.memory_space<vmem>>, %arg15: memref<1024xf32, #tpu.memory_space<vmem>>, %arg16: memref<1024xf32, #tpu.memory_space<vmem>>, %arg17: memref<81920xf32, #tpu.memory_space<vmem>>, %arg18: memref<4096xf32, #tpu.memory_space<vmem>>, %arg19: memref<1024xf32, #tpu.memory_space<vmem>>) attributes {dimension_semantics = [#tpu.dimension_semantics<core_parallel>, #tpu.dimension_semantics<subcore_parallel>], iteration_bounds = array<i64: 2, 16>, scalar_prefetch = 0 : i64, scratch_operands = 13 : i64, tpu.core_type = #tpu.core_type<sc_vector_subcore>, window_params = [{transform_indices = #map}, {transform_indices = #map}, {transform_indices = #map}, {transform_indices = #map}, {transform_indices = #map}]} {
    %mul3A = arith.constant 2 : i32
    %mul3A_0 = arith.muli %arg1, %mul3A : i32
    %add3A = arith.addi %mul3A_0, %arg0 : i32
    %jit3A = arith.constant 4 : i32
    %div3A = arith.divsi %add3A, %jit3A : i32
    %sign3A = arith.constant 0 : i32
    %sign3A_1 = arith.cmpi sgt, %add3A, %sign3A : i32
    %sign3A_2 = arith.extui %sign3A_1 : i1 to i32
    %sign3A_3 = arith.constant 0 : i32
    %sign3A_4 = arith.cmpi slt, %add3A, %sign3A_3 : i32
    %sign3A_5 = arith.extui %sign3A_4 : i1 to i32
    %sign3A_6 = arith.subi %sign3A_2, %sign3A_5 : i32
    %sign3A_7 = arith.constant 0 : i32
    %sign3A_8 = arith.cmpi sgt, %jit3A, %sign3A_7 : i32
    %sign3A_9 = arith.extui %sign3A_8 : i1 to i32
    %sign3A_10 = arith.constant 0 : i32
    %sign3A_11 = arith.cmpi slt, %jit3A, %sign3A_10 : i32
    %sign3A_12 = arith.extui %sign3A_11 : i1 to i32
    %sign3A_13 = arith.subi %sign3A_9, %sign3A_12 : i32
    %ne3A = arith.cmpi ne, %sign3A_6, %sign3A_13 : i32
    %rem3A = arith.remsi %add3A, %jit3A : i32
    %ne3A_14 = arith.constant 0 : i32
    %ne3A_15 = arith.cmpi ne, %rem3A, %ne3A_14 : i32
    %and3A = arith.andi %ne3A, %ne3A_15 : i1
    %sub3A = arith.constant 1 : i32
    %sub3A_16 = arith.subi %div3A, %sub3A : i32
    %select_n3A = arith.select %and3A, %sub3A_16, %div3A : i32
    %jit3A_17 = arith.constant 4 : i32
    %eq3A = arith.constant 0 : i32
    %eq3A_18 = arith.cmpi eq, %jit3A_17, %eq3A : i32
    %jit3A_19 = arith.constant 1 : i32
    %select_n3A_20 = arith.select %eq3A_18, %jit3A_19, %jit3A_17 : i32
    %rem3A_21 = arith.remsi %add3A, %select_n3A_20 : i32
    %ne3A_22 = arith.constant 0 : i32
    %ne3A_23 = arith.cmpi ne, %rem3A_21, %ne3A_22 : i32
    %lt3A = arith.constant 0 : i32
    %lt3A_24 = arith.cmpi slt, %rem3A_21, %lt3A : i32
    %lt3A_25 = arith.constant 0 : i32
    %lt3A_26 = arith.cmpi slt, %select_n3A_20, %lt3A_25 : i32
    %ne3A_27 = arith.xori %lt3A_24, %lt3A_26 : i1
    %and3A_28 = arith.andi %ne3A_27, %ne3A_23 : i1
    %add3A_29 = arith.addi %rem3A_21, %select_n3A_20 : i32
    %select_n3A_30 = arith.select %and3A_28, %add3A_29, %rem3A_21 : i32
    %mul3A_31 = arith.constant 672 : i32
    %mul3A_32 = arith.muli %select_n3A, %mul3A_31 : i32
    %add3A_33 = arith.constant 0 : i32
    %add3A_34 = arith.addi %mul3A_32, %add3A_33 : i32
    "tpu.region"() ({
      %run_scoped3A = tpu.sem_alloc : memref<!tpu.dma_semaphore, #tpu.memory_space<semaphore_mem>>
      %dma_start3A = tpu.memref_slice %arg2[%add3A_34] : memref<5376xf32, #tpu.memory_space<hbm>> -> memref<112xf32, #tpu.memory_space<hbm>>
      %dma_start3A_62 = tpu.memref_slice %arg2[%add3A_34] : memref<5376xf32, #tpu.memory_space<hbm>> -> memref<112xf32, #tpu.memory_space<hbm>>
      tpu.enqueue_dma source(%dma_start3A_62 : memref<112xf32, #tpu.memory_space<hbm>>) target(%arg7 : memref<112xf32, #tpu.memory_space<vmem>>) target_semaphore(%run_scoped3A : memref<!tpu.dma_semaphore, #tpu.memory_space<semaphore_mem>>)
      %dma_wait3A = tpu.memref_slice %arg2[%add3A_34] : memref<5376xf32, #tpu.memory_space<hbm>> -> memref<112xf32, #tpu.memory_space<hbm>>
      %dma_wait3A_63 = tpu.memref_slice %arg2[%add3A_34] : memref<5376xf32, #tpu.memory_space<hbm>> -> memref<112xf32, #tpu.memory_space<hbm>>
      tpu.wait_dma2 semaphore(%run_scoped3A : memref<!tpu.dma_semaphore, #tpu.memory_space<semaphore_mem>>) src(%dma_wait3A_63 : memref<112xf32, #tpu.memory_space<hbm>>) dst(%arg7 : memref<112xf32, #tpu.memory_space<vmem>>)
      tpu.yield
    }) : () -> ()
    %add3A_35 = arith.constant 112 : i32
    %add3A_36 = arith.addi %mul3A_32, %add3A_35 : i32
    "tpu.region"() ({
      %run_scoped3A = tpu.sem_alloc : memref<!tpu.dma_semaphore, #tpu.memory_space<semaphore_mem>>
      %dma_start3A = tpu.memref_slice %arg2[%add3A_36] : memref<5376xf32, #tpu.memory_space<hbm>> -> memref<112xf32, #tpu.memory_space<hbm>>
      %dma_start3A_62 = tpu.memref_slice %arg2[%add3A_36] : memref<5376xf32, #tpu.memory_space<hbm>> -> memref<112xf32, #tpu.memory_space<hbm>>
      tpu.enqueue_dma source(%dma_start3A_62 : memref<112xf32, #tpu.memory_space<hbm>>) target(%arg8 : memref<112xf32, #tpu.memory_space<vmem>>) target_semaphore(%run_scoped3A : memref<!tpu.dma_semaphore, #tpu.memory_space<semaphore_mem>>)
      %dma_wait3A = tpu.memref_slice %arg2[%add3A_36] : memref<5376xf32, #tpu.memory_space<hbm>> -> memref<112xf32, #tpu.memory_space<hbm>>
      %dma_wait3A_63 = tpu.memref_slice %arg2[%add3A_36] : memref<5376xf32, #tpu.memory_space<hbm>> -> memref<112xf32, #tpu.memory_space<hbm>>
      tpu.wait_dma2 semaphore(%run_scoped3A : memref<!tpu.dma_semaphore, #tpu.memory_space<semaphore_mem>>) src(%dma_wait3A_63 : memref<112xf32, #tpu.memory_space<hbm>>) dst(%arg8 : memref<112xf32, #tpu.memory_space<vmem>>)
      tpu.yield
    }) : () -> ()
    %add3A_37 = arith.constant 224 : i32
    %add3A_38 = arith.addi %mul3A_32, %add3A_37 : i32
    "tpu.region"() ({
      %run_scoped3A = tpu.sem_alloc : memref<!tpu.dma_semaphore, #tpu.memory_space<semaphore_mem>>
      %dma_start3A = tpu.memref_slice %arg2[%add3A_38] : memref<5376xf32, #tpu.memory_space<hbm>> -> memref<112xf32, #tpu.memory_space<hbm>>
      %dma_start3A_62 = tpu.memref_slice %arg2[%add3A_38] : memref<5376xf32, #tpu.memory_space<hbm>> -> memref<112xf32, #tpu.memory_space<hbm>>
      tpu.enqueue_dma source(%dma_start3A_62 : memref<112xf32, #tpu.memory_space<hbm>>) target(%arg9 : memref<112xf32, #tpu.memory_space<vmem>>) target_semaphore(%run_scoped3A : memref<!tpu.dma_semaphore, #tpu.memory_space<semaphore_mem>>)
      %dma_wait3A = tpu.memref_slice %arg2[%add3A_38] : memref<5376xf32, #tpu.memory_space<hbm>> -> memref<112xf32, #tpu.memory_space<hbm>>
      %dma_wait3A_63 = tpu.memref_slice %arg2[%add3A_38] : memref<5376xf32, #tpu.memory_space<hbm>> -> memref<112xf32, #tpu.memory_space<hbm>>
      tpu.wait_dma2 semaphore(%run_scoped3A : memref<!tpu.dma_semaphore, #tpu.memory_space<semaphore_mem>>) src(%dma_wait3A_63 : memref<112xf32, #tpu.memory_space<hbm>>) dst(%arg9 : memref<112xf32, #tpu.memory_space<vmem>>)
      tpu.yield
    }) : () -> ()
    %add3A_39 = arith.constant 336 : i32
    %add3A_40 = arith.addi %mul3A_32, %add3A_39 : i32
    "tpu.region"() ({
      %run_scoped3A = tpu.sem_alloc : memref<!tpu.dma_semaphore, #tpu.memory_space<semaphore_mem>>
      %dma_start3A = tpu.memref_slice %arg2[%add3A_40] : memref<5376xf32, #tpu.memory_space<hbm>> -> memref<112xf32, #tpu.memory_space<hbm>>
      %dma_start3A_62 = tpu.memref_slice %arg2[%add3A_40] : memref<5376xf32, #tpu.memory_space<hbm>> -> memref<112xf32, #tpu.memory_space<hbm>>
      tpu.enqueue_dma source(%dma_start3A_62 : memref<112xf32, #tpu.memory_space<hbm>>) target(%arg10 : memref<112xf32, #tpu.memory_space<vmem>>) target_semaphore(%run_scoped3A : memref<!tpu.dma_semaphore, #tpu.memory_space<semaphore_mem>>)
      %dma_wait3A = tpu.memref_slice %arg2[%add3A_40] : memref<5376xf32, #tpu.memory_space<hbm>> -> memref<112xf32, #tpu.memory_space<hbm>>
      %dma_wait3A_63 = tpu.memref_slice %arg2[%add3A_40] : memref<5376xf32, #tpu.memory_space<hbm>> -> memref<112xf32, #tpu.memory_space<hbm>>
      tpu.wait_dma2 semaphore(%run_scoped3A : memref<!tpu.dma_semaphore, #tpu.memory_space<semaphore_mem>>) src(%dma_wait3A_63 : memref<112xf32, #tpu.memory_space<hbm>>) dst(%arg10 : memref<112xf32, #tpu.memory_space<vmem>>)
      tpu.yield
    }) : () -> ()
    %add3A_41 = arith.constant 448 : i32
    %add3A_42 = arith.addi %mul3A_32, %add3A_41 : i32
    "tpu.region"() ({
      %run_scoped3A = tpu.sem_alloc : memref<!tpu.dma_semaphore, #tpu.memory_space<semaphore_mem>>
      %dma_start3A = tpu.memref_slice %arg2[%add3A_42] : memref<5376xf32, #tpu.memory_space<hbm>> -> memref<112xf32, #tpu.memory_space<hbm>>
      %dma_start3A_62 = tpu.memref_slice %arg2[%add3A_42] : memref<5376xf32, #tpu.memory_space<hbm>> -> memref<112xf32, #tpu.memory_space<hbm>>
      tpu.enqueue_dma source(%dma_start3A_62 : memref<112xf32, #tpu.memory_space<hbm>>) target(%arg11 : memref<112xf32, #tpu.memory_space<vmem>>) target_semaphore(%run_scoped3A : memref<!tpu.dma_semaphore, #tpu.memory_space<semaphore_mem>>)
      %dma_wait3A = tpu.memref_slice %arg2[%add3A_42] : memref<5376xf32, #tpu.memory_space<hbm>> -> memref<112xf32, #tpu.memory_space<hbm>>
      %dma_wait3A_63 = tpu.memref_slice %arg2[%add3A_42] : memref<5376xf32, #tpu.memory_space<hbm>> -> memref<112xf32, #tpu.memory_space<hbm>>
      tpu.wait_dma2 semaphore(%run_scoped3A : memref<!tpu.dma_semaphore, #tpu.memory_space<semaphore_mem>>) src(%dma_wait3A_63 : memref<112xf32, #tpu.memory_space<hbm>>) dst(%arg11 : memref<112xf32, #tpu.memory_space<vmem>>)
      tpu.yield
    }) : () -> ()
    %add3A_43 = arith.constant 560 : i32
    %add3A_44 = arith.addi %mul3A_32, %add3A_43 : i32
    "tpu.region"() ({
      %run_scoped3A = tpu.sem_alloc : memref<!tpu.dma_semaphore, #tpu.memory_space<semaphore_mem>>
      %dma_start3A = tpu.memref_slice %arg2[%add3A_44] : memref<5376xf32, #tpu.memory_space<hbm>> -> memref<112xf32, #tpu.memory_space<hbm>>
      %dma_start3A_62 = tpu.memref_slice %arg2[%add3A_44] : memref<5376xf32, #tpu.memory_space<hbm>> -> memref<112xf32, #tpu.memory_space<hbm>>
      tpu.enqueue_dma source(%dma_start3A_62 : memref<112xf32, #tpu.memory_space<hbm>>) target(%arg12 : memref<112xf32, #tpu.memory_space<vmem>>) target_semaphore(%run_scoped3A : memref<!tpu.dma_semaphore, #tpu.memory_space<semaphore_mem>>)
      %dma_wait3A = tpu.memref_slice %arg2[%add3A_44] : memref<5376xf32, #tpu.memory_space<hbm>> -> memref<112xf32, #tpu.memory_space<hbm>>
      %dma_wait3A_63 = tpu.memref_slice %arg2[%add3A_44] : memref<5376xf32, #tpu.memory_space<hbm>> -> memref<112xf32, #tpu.memory_space<hbm>>
      tpu.wait_dma2 semaphore(%run_scoped3A : memref<!tpu.dma_semaphore, #tpu.memory_space<semaphore_mem>>) src(%dma_wait3A_63 : memref<112xf32, #tpu.memory_space<hbm>>) dst(%arg12 : memref<112xf32, #tpu.memory_space<vmem>>)
      tpu.yield
    }) : () -> ()
    %iota3A = tpu.iota {dimensions = array<i32: 0>} : vector<16xi32>
    %mul3A_45 = arith.constant 4 : i32
    %mul3A_46 = vector.broadcast %mul3A_45 : i32 to vector<16xi32>
    %mul3A_47 = arith.muli %iota3A, %mul3A_46 : vector<16xi32>
    %mul3A_48 = arith.constant 80 : i32
    %mul3A_49 = vector.broadcast %mul3A_48 : i32 to vector<16xi32>
    %mul3A_50 = arith.muli %iota3A, %mul3A_49 : vector<16xi32>
    %broadcast_in_dim3A = arith.constant 1.000000e+00 : f32
    %broadcast_in_dim3A_51 = vector.broadcast %broadcast_in_dim3A : f32 to vector<16xf32>
    %broadcast_in_dim3A_52 = arith.constant 0.000000e+00 : f32
    %broadcast_in_dim3A_53 = vector.broadcast %broadcast_in_dim3A_52 : f32 to vector<16xf32>
    %broadcast_in_dim3A_54 = arith.constant 0 : i32
    %broadcast_in_dim3A_55 = vector.broadcast %broadcast_in_dim3A_54 : i32 to vector<16xi32>
    %broadcast_in_dim3A_56 = arith.constant 1 : i32
    %broadcast_in_dim3A_57 = vector.broadcast %broadcast_in_dim3A_56 : i32 to vector<16xi32>
    %scan3A = arith.constant 0 : i32
    %scan3A_58 = arith.constant 5 : i32
    %scan3A_59 = arith.addi %scan3A, %scan3A_58 : i32
    %scan3A_60 = arith.constant 1 : i32
    scf.for %scan3A_62 = %scan3A to %scan3A_59 step %scan3A_60  : i32 {
      %mul3A_63 = arith.constant 4960 : i32
      %mul3A_64 = arith.muli %select_n3A_30, %mul3A_63 : i32
      %mul3A_65 = arith.constant 1024 : i32
      %mul3A_66 = arith.muli %scan3A_62, %mul3A_65 : i32
      %add3A_67 = arith.addi %mul3A_64, %mul3A_66 : i32
      %add3A_68 = arith.constant 0 : i32
      %add3A_69 = arith.addi %add3A_68, %add3A_67 : i32
      "tpu.region"() ({
        %run_scoped3A = tpu.sem_alloc : memref<!tpu.dma_semaphore, #tpu.memory_space<semaphore_mem>>
        %dma_start3A = tpu.memref_slice %arg3[%add3A_69] : memref<80000xf32, #tpu.memory_space<hbm>> -> memref<1024xf32, #tpu.memory_space<hbm>>
        %dma_start3A_88 = tpu.memref_slice %arg3[%add3A_69] : memref<80000xf32, #tpu.memory_space<hbm>> -> memref<1024xf32, #tpu.memory_space<hbm>>
        tpu.enqueue_dma source(%dma_start3A_88 : memref<1024xf32, #tpu.memory_space<hbm>>) target(%arg13 : memref<1024xf32, #tpu.memory_space<vmem>>) target_semaphore(%run_scoped3A : memref<!tpu.dma_semaphore, #tpu.memory_space<semaphore_mem>>)
        %dma_wait3A = tpu.memref_slice %arg3[%add3A_69] : memref<80000xf32, #tpu.memory_space<hbm>> -> memref<1024xf32, #tpu.memory_space<hbm>>
        %dma_wait3A_89 = tpu.memref_slice %arg3[%add3A_69] : memref<80000xf32, #tpu.memory_space<hbm>> -> memref<1024xf32, #tpu.memory_space<hbm>>
        tpu.wait_dma2 semaphore(%run_scoped3A : memref<!tpu.dma_semaphore, #tpu.memory_space<semaphore_mem>>) src(%dma_wait3A_89 : memref<1024xf32, #tpu.memory_space<hbm>>) dst(%arg13 : memref<1024xf32, #tpu.memory_space<vmem>>)
        tpu.yield
      }) : () -> ()
      %add3A_70 = arith.constant 20000 : i32
      %add3A_71 = arith.addi %add3A_70, %add3A_67 : i32
      "tpu.region"() ({
        %run_scoped3A = tpu.sem_alloc : memref<!tpu.dma_semaphore, #tpu.memory_space<semaphore_mem>>
        %dma_start3A = tpu.memref_slice %arg3[%add3A_71] : memref<80000xf32, #tpu.memory_space<hbm>> -> memref<1024xf32, #tpu.memory_space<hbm>>
        %dma_start3A_88 = tpu.memref_slice %arg3[%add3A_71] : memref<80000xf32, #tpu.memory_space<hbm>> -> memref<1024xf32, #tpu.memory_space<hbm>>
        tpu.enqueue_dma source(%dma_start3A_88 : memref<1024xf32, #tpu.memory_space<hbm>>) target(%arg14 : memref<1024xf32, #tpu.memory_space<vmem>>) target_semaphore(%run_scoped3A : memref<!tpu.dma_semaphore, #tpu.memory_space<semaphore_mem>>)
        %dma_wait3A = tpu.memref_slice %arg3[%add3A_71] : memref<80000xf32, #tpu.memory_space<hbm>> -> memref<1024xf32, #tpu.memory_space<hbm>>
        %dma_wait3A_89 = tpu.memref_slice %arg3[%add3A_71] : memref<80000xf32, #tpu.memory_space<hbm>> -> memref<1024xf32, #tpu.memory_space<hbm>>
        tpu.wait_dma2 semaphore(%run_scoped3A : memref<!tpu.dma_semaphore, #tpu.memory_space<semaphore_mem>>) src(%dma_wait3A_89 : memref<1024xf32, #tpu.memory_space<hbm>>) dst(%arg14 : memref<1024xf32, #tpu.memory_space<vmem>>)
        tpu.yield
      }) : () -> ()
      %add3A_72 = arith.constant 40000 : i32
      %add3A_73 = arith.addi %add3A_72, %add3A_67 : i32
      "tpu.region"() ({
        %run_scoped3A = tpu.sem_alloc : memref<!tpu.dma_semaphore, #tpu.memory_space<semaphore_mem>>
        %dma_start3A = tpu.memref_slice %arg3[%add3A_73] : memref<80000xf32, #tpu.memory_space<hbm>> -> memref<1024xf32, #tpu.memory_space<hbm>>
        %dma_start3A_88 = tpu.memref_slice %arg3[%add3A_73] : memref<80000xf32, #tpu.memory_space<hbm>> -> memref<1024xf32, #tpu.memory_space<hbm>>
        tpu.enqueue_dma source(%dma_start3A_88 : memref<1024xf32, #tpu.memory_space<hbm>>) target(%arg15 : memref<1024xf32, #tpu.memory_space<vmem>>) target_semaphore(%run_scoped3A : memref<!tpu.dma_semaphore, #tpu.memory_space<semaphore_mem>>)
        %dma_wait3A = tpu.memref_slice %arg3[%add3A_73] : memref<80000xf32, #tpu.memory_space<hbm>> -> memref<1024xf32, #tpu.memory_space<hbm>>
        %dma_wait3A_89 = tpu.memref_slice %arg3[%add3A_73] : memref<80000xf32, #tpu.memory_space<hbm>> -> memref<1024xf32, #tpu.memory_space<hbm>>
        tpu.wait_dma2 semaphore(%run_scoped3A : memref<!tpu.dma_semaphore, #tpu.memory_space<semaphore_mem>>) src(%dma_wait3A_89 : memref<1024xf32, #tpu.memory_space<hbm>>) dst(%arg15 : memref<1024xf32, #tpu.memory_space<vmem>>)
        tpu.yield
      }) : () -> ()
      %add3A_74 = arith.constant 60000 : i32
      %add3A_75 = arith.addi %add3A_74, %add3A_67 : i32
      "tpu.region"() ({
        %run_scoped3A = tpu.sem_alloc : memref<!tpu.dma_semaphore, #tpu.memory_space<semaphore_mem>>
        %dma_start3A = tpu.memref_slice %arg3[%add3A_75] : memref<80000xf32, #tpu.memory_space<hbm>> -> memref<1024xf32, #tpu.memory_space<hbm>>
        %dma_start3A_88 = tpu.memref_slice %arg3[%add3A_75] : memref<80000xf32, #tpu.memory_space<hbm>> -> memref<1024xf32, #tpu.memory_space<hbm>>
        tpu.enqueue_dma source(%dma_start3A_88 : memref<1024xf32, #tpu.memory_space<hbm>>) target(%arg16 : memref<1024xf32, #tpu.memory_space<vmem>>) target_semaphore(%run_scoped3A : memref<!tpu.dma_semaphore, #tpu.memory_space<semaphore_mem>>)
        %dma_wait3A = tpu.memref_slice %arg3[%add3A_75] : memref<80000xf32, #tpu.memory_space<hbm>> -> memref<1024xf32, #tpu.memory_space<hbm>>
        %dma_wait3A_89 = tpu.memref_slice %arg3[%add3A_75] : memref<80000xf32, #tpu.memory_space<hbm>> -> memref<1024xf32, #tpu.memory_space<hbm>>
        tpu.wait_dma2 semaphore(%run_scoped3A : memref<!tpu.dma_semaphore, #tpu.memory_space<semaphore_mem>>) src(%dma_wait3A_89 : memref<1024xf32, #tpu.memory_space<hbm>>) dst(%arg16 : memref<1024xf32, #tpu.memory_space<vmem>>)
        tpu.yield
      }) : () -> ()
      %scan3A_76 = arith.constant 0 : i32
      %scan3A_77 = arith.constant 32 : i32
      %scan3A_78 = arith.addi %scan3A_76, %scan3A_77 : i32
      %scan3A_79 = arith.constant 1 : i32
      scf.for %scan3A_88 = %scan3A_76 to %scan3A_78 step %scan3A_79  : i32 {
        %mul3A_89 = arith.constant 2 : i32
        %mul3A_90 = arith.muli %scan3A_88, %mul3A_89 : i32
        %add3A_91 = arith.constant 1 : i32
        %add3A_92 = arith.addi %mul3A_90, %add3A_91 : i32
        %mul3A_93 = arith.constant 16 : i32
        %mul3A_94 = arith.muli %mul3A_90, %mul3A_93 : i32
        %mul3A_95 = arith.constant 16 : i32
        %mul3A_96 = arith.muli %add3A_92, %mul3A_95 : i32
        %get3A = arith.index_cast %mul3A_94 : i32 to index
        %get3A_97 = tpu.vector_load %arg13[%get3A] {strides = array<i32>} : memref<1024xf32, #tpu.memory_space<vmem>>, vector<16xf32>,
        %get3A_98 = arith.index_cast %mul3A_94 : i32 to index
        %get3A_99 = tpu.vector_load %arg14[%get3A_98] {strides = array<i32>} : memref<1024xf32, #tpu.memory_space<vmem>>, vector<16xf32>,
        %get3A_100 = arith.index_cast %mul3A_94 : i32 to index
        %get3A_101 = tpu.vector_load %arg15[%get3A_100] {strides = array<i32>} : memref<1024xf32, #tpu.memory_space<vmem>>, vector<16xf32>,
        %get3A_102 = arith.index_cast %mul3A_94 : i32 to index
        %get3A_103 = tpu.vector_load %arg16[%get3A_102] {strides = array<i32>} : memref<1024xf32, #tpu.memory_space<vmem>>, vector<16xf32>,
        %get3A_104 = arith.index_cast %mul3A_96 : i32 to index
        %get3A_105 = tpu.vector_load %arg13[%get3A_104] {strides = array<i32>} : memref<1024xf32, #tpu.memory_space<vmem>>, vector<16xf32>,
        %get3A_106 = arith.index_cast %mul3A_96 : i32 to index
        %get3A_107 = tpu.vector_load %arg14[%get3A_106] {strides = array<i32>} : memref<1024xf32, #tpu.memory_space<vmem>>, vector<16xf32>,
        %get3A_108 = arith.index_cast %mul3A_96 : i32 to index
        %get3A_109 = tpu.vector_load %arg15[%get3A_108] {strides = array<i32>} : memref<1024xf32, #tpu.memory_space<vmem>>, vector<16xf32>,
        %get3A_110 = arith.index_cast %mul3A_96 : i32 to index
        %get3A_111 = tpu.vector_load %arg16[%get3A_110] {strides = array<i32>} : memref<1024xf32, #tpu.memory_space<vmem>>, vector<16xf32>,
        %sub3A_112 = arith.subf %get3A_101, %get3A_97 : vector<16xf32>
        %sub3A_113 = arith.subf %get3A_103, %get3A_99 : vector<16xf32>
        %mul3A_114 = arith.mulf %sub3A_112, %sub3A_113 : vector<16xf32>
        %sub3A_115 = arith.subf %get3A_109, %get3A_105 : vector<16xf32>
        %sub3A_116 = arith.subf %get3A_111, %get3A_107 : vector<16xf32>
        %mul3A_117 = arith.mulf %sub3A_115, %sub3A_116 : vector<16xf32>
        %scan3A_118 = arith.constant 0 : i32
        %scan3A_119 = arith.constant 100 : i32
        %scan3A_120 = arith.addi %scan3A_118, %scan3A_119 : i32
        %scan3A_121 = arith.constant 1 : i32
        %scan3A_122:7 = scf.for %scan3A_882 = %scan3A_118 to %scan3A_120 step %scan3A_121 iter_args(%scan3A_883 = %broadcast_in_dim3A_53, %scan3A_884 = %broadcast_in_dim3A_51, %scan3A_885 = %broadcast_in_dim3A_55, %scan3A_886 = %broadcast_in_dim3A_53, %scan3A_887 = %broadcast_in_dim3A_51, %scan3A_888 = %broadcast_in_dim3A_55, %scan3A_889 = %broadcast_in_dim3A_55) -> (vector<16xf32>, vector<16xf32>, vector<16xi32>, vector<16xf32>, vector<16xf32>, vector<16xi32>, vector<16xi32>)  : i32 {
          %gather3A_890 = tpu.vector_load_idx %arg7[%scan3A_889] : memref<112xf32, #tpu.memory_space<vmem>>[vector<16xi32>], vector<16xf32>,
          %gather3A_891 = tpu.vector_load_idx %arg8[%scan3A_889] : memref<112xf32, #tpu.memory_space<vmem>>[vector<16xi32>], vector<16xf32>,
          %gather3A_892 = tpu.vector_load_idx %arg9[%scan3A_889] : memref<112xf32, #tpu.memory_space<vmem>>[vector<16xi32>], vector<16xf32>,
          %gather3A_893 = tpu.vector_load_idx %arg10[%scan3A_889] : memref<112xf32, #tpu.memory_space<vmem>>[vector<16xi32>], vector<16xf32>,
          %gather3A_894 = tpu.vector_load_idx %arg11[%scan3A_889] : memref<112xf32, #tpu.memory_space<vmem>>[vector<16xi32>], vector<16xf32>,
          %min3A = arith.minimumf %get3A_101, %gather3A_892 : vector<16xf32>
          %max3A = arith.maximumf %get3A_97, %gather3A_890 : vector<16xf32>
          %sub3A_895 = arith.subf %min3A, %max3A : vector<16xf32>
          %max3A_896 = arith.constant 0.000000e+00 : f32
          %max3A_897 = vector.broadcast %max3A_896 : f32 to vector<16xf32>
          %max3A_898 = arith.maximumf %sub3A_895, %max3A_897 : vector<16xf32>
          %min3A_899 = arith.minimumf %get3A_103, %gather3A_893 : vector<16xf32>
          %max3A_900 = arith.maximumf %get3A_99, %gather3A_891 : vector<16xf32>
          %sub3A_901 = arith.subf %min3A_899, %max3A_900 : vector<16xf32>
          %max3A_902 = arith.constant 0.000000e+00 : f32
          %max3A_903 = vector.broadcast %max3A_902 : f32 to vector<16xf32>
          %max3A_904 = arith.maximumf %sub3A_901, %max3A_903 : vector<16xf32>
          %min3A_905 = arith.minimumf %get3A_109, %gather3A_892 : vector<16xf32>
          %max3A_906 = arith.maximumf %get3A_105, %gather3A_890 : vector<16xf32>
          %sub3A_907 = arith.subf %min3A_905, %max3A_906 : vector<16xf32>
          %max3A_908 = arith.constant 0.000000e+00 : f32
          %max3A_909 = vector.broadcast %max3A_908 : f32 to vector<16xf32>
          %max3A_910 = arith.maximumf %sub3A_907, %max3A_909 : vector<16xf32>
          %min3A_911 = arith.minimumf %get3A_111, %gather3A_893 : vector<16xf32>
          %max3A_912 = arith.maximumf %get3A_107, %gather3A_891 : vector<16xf32>
          %sub3A_913 = arith.subf %min3A_911, %max3A_912 : vector<16xf32>
          %max3A_914 = arith.constant 0.000000e+00 : f32
          %max3A_915 = vector.broadcast %max3A_914 : f32 to vector<16xf32>
          %max3A_916 = arith.maximumf %sub3A_913, %max3A_915 : vector<16xf32>
          %mul3A_917 = arith.mulf %max3A_898, %max3A_904 : vector<16xf32>
          %mul3A_918 = arith.mulf %max3A_910, %max3A_916 : vector<16xf32>
          %add3A_919 = arith.addf %mul3A_114, %gather3A_894 : vector<16xf32>
          %add3A_920 = arith.addf %mul3A_117, %gather3A_894 : vector<16xf32>
          %mul3A_921 = arith.mulf %mul3A_917, %scan3A_884 : vector<16xf32>
          %mul3A_922 = arith.mulf %scan3A_883, %add3A_919 : vector<16xf32>
          %gt3A_923 = arith.cmpf ogt, %mul3A_921, %mul3A_922 : vector<16xf32>
          %mul3A_924 = arith.mulf %mul3A_918, %scan3A_887 : vector<16xf32>
          %mul3A_925 = arith.mulf %scan3A_886, %add3A_920 : vector<16xf32>
          %gt3A_926 = arith.cmpf ogt, %mul3A_924, %mul3A_925 : vector<16xf32>
          %select_n3A_927 = arith.select %gt3A_923, %mul3A_917, %scan3A_883 : vector<16xi1>, vector<16xf32>
          %select_n3A_928 = arith.select %gt3A_923, %add3A_919, %scan3A_884 : vector<16xi1>, vector<16xf32>
          %select_n3A_929 = arith.select %gt3A_923, %scan3A_889, %scan3A_885 : vector<16xi1>, vector<16xi32>
          %select_n3A_930 = arith.select %gt3A_926, %mul3A_918, %scan3A_886 : vector<16xi1>, vector<16xf32>
          %select_n3A_931 = arith.select %gt3A_926, %add3A_920, %scan3A_887 : vector<16xi1>, vector<16xf32>
          %select_n3A_932 = arith.select %gt3A_926, %scan3A_889, %scan3A_888 : vector<16xi1>, vector<16xi32>
          %add3A_933 = arith.addi %scan3A_889, %broadcast_in_dim3A_57 : vector<16xi32>
          scf.yield %select_n3A_927, %select_n3A_928, %select_n3A_929, %select_n3A_930, %select_n3A_931, %select_n3A_932, %add3A_933 : vector<16xf32>, vector<16xf32>, vector<16xi32>, vector<16xf32>, vector<16xf32>, vector<16xi32>, vector<16xi32>
        }
        %scan3A_123 = arith.constant 100 : i32
        %mul3A_124 = arith.constant 16 : i32
        %mul3A_125 = arith.muli %mul3A_90, %mul3A_124 : i32
        %sub3A_126 = arith.subf %scan3A_122#1, %scan3A_122#0 : vector<16xf32>
        %mul3A_127 = arith.constant 5.000000e-01 : f32
        %mul3A_128 = vector.broadcast %mul3A_127 : f32 to vector<16xf32>
        %mul3A_129 = arith.mulf %mul3A_128, %sub3A_126 : vector<16xf32>
        %ge3A = arith.cmpf oge, %scan3A_122#0, %mul3A_129 : vector<16xf32>
        %mul3A_130 = arith.constant 4.000000e-01 : f32
        %mul3A_131 = vector.broadcast %mul3A_130 : f32 to vector<16xf32>
        %mul3A_132 = arith.mulf %mul3A_131, %sub3A_126 : vector<16xf32>
        %gt3A = arith.cmpf ogt, %scan3A_122#0, %mul3A_132 : vector<16xf32>
        %not3A = arith.constant dense<true> : vector<16xi1>
        %not3A_133 = arith.xori %ge3A, %not3A : vector<16xi1>
        %and3A_134 = arith.andi %gt3A, %not3A_133 : vector<16xi1>
        %jit3A_135 = arith.constant -1.000000e+00 : f32
        %jit3A_136 = arith.constant 0.000000e+00 : f32
        %broadcast_in_dim3A_137 = vector.broadcast %jit3A_135 : f32 to vector<16xf32>
        %broadcast_in_dim3A_138 = vector.broadcast %jit3A_136 : f32 to vector<16xf32>
        %select_n3A_139 = arith.select %and3A_134, %broadcast_in_dim3A_137, %broadcast_in_dim3A_138 : vector<16xi1>, vector<16xf32>
        %jit3A_140 = arith.constant 1.000000e+00 : f32
        %broadcast_in_dim3A_141 = vector.broadcast %jit3A_140 : f32 to vector<16xf32>
        %select_n3A_142 = arith.select %ge3A, %broadcast_in_dim3A_141, %select_n3A_139 : vector<16xi1>, vector<16xf32>
        %swap3A = arith.index_cast %mul3A_125 : i32 to index
        %swap3A_143 = tpu.vector_load %arg19[%swap3A] {strides = array<i32>} : memref<1024xf32, #tpu.memory_space<vmem>>, vector<16xf32>,
        tpu.vector_store %arg19[%swap3A], %select_n3A_142 {strides = array<i32>} : memref<1024xf32, #tpu.memory_space<vmem>>, vector<16xf32>,
        %gather3A = tpu.vector_load_idx %arg7[%scan3A_122#2] : memref<112xf32, #tpu.memory_space<vmem>>[vector<16xi32>], vector<16xf32>,
        %gather3A_144 = tpu.vector_load_idx %arg8[%scan3A_122#2] : memref<112xf32, #tpu.memory_space<vmem>>[vector<16xi32>], vector<16xf32>,
        %gather3A_145 = tpu.vector_load_idx %arg9[%scan3A_122#2] : memref<112xf32, #tpu.memory_space<vmem>>[vector<16xi32>], vector<16xf32>,
        %gather3A_146 = tpu.vector_load_idx %arg10[%scan3A_122#2] : memref<112xf32, #tpu.memory_space<vmem>>[vector<16xi32>], vector<16xf32>,
        %gather3A_147 = tpu.vector_load_idx %arg12[%scan3A_122#2] : memref<112xf32, #tpu.memory_space<vmem>>[vector<16xi32>], vector<16xf32>,
        %div3A_148 = arith.constant 5.000000e+00 : f32
        %div3A_149 = vector.broadcast %div3A_148 : f32 to vector<16xf32>
        %div3A_150 = arith.divf %div3A_149, %sub3A_112 : vector<16xf32>
        %div3A_151 = arith.constant 5.000000e+00 : f32
        %div3A_152 = vector.broadcast %div3A_151 : f32 to vector<16xf32>
        %div3A_153 = arith.divf %div3A_152, %sub3A_113 : vector<16xf32>
        %mul3A_154 = arith.constant 64 : i32
        %mul3A_155 = arith.muli %mul3A_90, %mul3A_154 : i32
        %add3A_156 = vector.broadcast %mul3A_155 : i32 to vector<16xi32>
        %add3A_157 = arith.addi %mul3A_47, %add3A_156 : vector<16xi32>
        %sub3A_158 = arith.subf %gather3A, %get3A_97 : vector<16xf32>
        %mul3A_159 = arith.mulf %sub3A_158, %div3A_150 : vector<16xf32>
        tpu.vector_store_idx %arg18[%add3A_157], %mul3A_159 : memref<4096xf32, #tpu.memory_space<vmem>>[vector<16xi32>], vector<16xf32>,
        %add3A_160 = arith.constant 1 : i32
        %add3A_161 = vector.broadcast %add3A_160 : i32 to vector<16xi32>
        %add3A_162 = arith.addi %add3A_157, %add3A_161 : vector<16xi32>
        %sub3A_163 = arith.subf %gather3A_144, %get3A_99 : vector<16xf32>
        %mul3A_164 = arith.mulf %sub3A_163, %div3A_153 : vector<16xf32>
        tpu.vector_store_idx %arg18[%add3A_162], %mul3A_164 : memref<4096xf32, #tpu.memory_space<vmem>>[vector<16xi32>], vector<16xf32>,
        %add3A_165 = arith.constant 2 : i32
        %add3A_166 = vector.broadcast %add3A_165 : i32 to vector<16xi32>
        %add3A_167 = arith.addi %add3A_157, %add3A_166 : vector<16xi32>
        %sub3A_168 = arith.subf %gather3A_145, %get3A_101 : vector<16xf32>
        %mul3A_169 = arith.mulf %sub3A_168, %div3A_150 : vector<16xf32>
        tpu.vector_store_idx %arg18[%add3A_167], %mul3A_169 : memref<4096xf32, #tpu.memory_space<vmem>>[vector<16xi32>], vector<16xf32>,
        %add3A_170 = arith.constant 3 : i32
        %add3A_171 = vector.broadcast %add3A_170 : i32 to vector<16xi32>
        %add3A_172 = arith.addi %add3A_157, %add3A_171 : vector<16xi32>
        %sub3A_173 = arith.subf %gather3A_146, %get3A_103 : vector<16xf32>
        %mul3A_174 = arith.mulf %sub3A_173, %div3A_153 : vector<16xf32>
        tpu.vector_store_idx %arg18[%add3A_172], %mul3A_174 : memref<4096xf32, #tpu.memory_space<vmem>>[vector<16xi32>], vector<16xf32>,
        %mul3A_175 = arith.constant 1280 : i32
        %mul3A_176 = arith.muli %mul3A_90, %mul3A_175 : i32
        %add3A_177 = arith.constant 0 : i32
        %add3A_178 = arith.addi %mul3A_176, %add3A_177 : i32
        %swap3A_179 = arith.index_cast %add3A_178 : i32 to index
        %swap3A_180 = tpu.vector_load %arg17[%swap3A_179] {strides = array<i32>} : memref<81920xf32, #tpu.memory_space<vmem>>, vector<16xf32>,
        tpu.vector_store %arg17[%swap3A_179], %broadcast_in_dim3A_53 {strides = array<i32>} : memref<81920xf32, #tpu.memory_space<vmem>>, vector<16xf32>,
        %add3A_181 = arith.constant 16 : i32
        %add3A_182 = arith.addi %mul3A_176, %add3A_181 : i32
        %swap3A_183 = arith.index_cast %add3A_182 : i32 to index
        %swap3A_184 = tpu.vector_load %arg17[%swap3A_183] {strides = array<i32>} : memref<81920xf32, #tpu.memory_space<vmem>>, vector<16xf32>,
        tpu.vector_store %arg17[%swap3A_183], %broadcast_in_dim3A_53 {strides = array<i32>} : memref<81920xf32, #tpu.memory_space<vmem>>, vector<16xf32>,
        %add3A_185 = arith.constant 32 : i32
        %add3A_186 = arith.addi %mul3A_176, %add3A_185 : i32
        %swap3A_187 = arith.index_cast %add3A_186 : i32 to index
        %swap3A_188 = tpu.vector_load %arg17[%swap3A_187] {strides = array<i32>} : memref<81920xf32, #tpu.memory_space<vmem>>, vector<16xf32>,
        tpu.vector_store %arg17[%swap3A_187], %broadcast_in_dim3A_53 {strides = array<i32>} : memref<81920xf32, #tpu.memory_space<vmem>>, vector<16xf32>,
        %add3A_189 = arith.constant 48 : i32
        %add3A_190 = arith.addi %mul3A_176, %add3A_189 : i32
        %swap3A_191 = arith.index_cast %add3A_190 : i32 to index
        %swap3A_192 = tpu.vector_load %arg17[%swap3A_191] {strides = array<i32>} : memref<81920xf32, #tpu.memory_space<vmem>>, vector<16xf32>,
        tpu.vector_store %arg17[%swap3A_191], %broadcast_in_dim3A_53 {strides = array<i32>} : memref<81920xf32, #tpu.memory_space<vmem>>, vector<16xf32>,
        %add3A_193 = arith.constant 64 : i32
        %add3A_194 = arith.addi %mul3A_176, %add3A_193 : i32
        %swap3A_195 = arith.index_cast %add3A_194 : i32 to index
        %swap3A_196 = tpu.vector_load %arg17[%swap3A_195] {strides = array<i32>} : memref<81920xf32, #tpu.memory_space<vmem>>, vector<16xf32>,
        tpu.vector_store %arg17[%swap3A_195], %broadcast_in_dim3A_53 {strides = array<i32>} : memref<81920xf32, #tpu.memory_space<vmem>>, vector<16xf32>,
        %add3A_197 = arith.constant 80 : i32
        %add3A_198 = arith.addi %mul3A_176, %add3A_197 : i32
        %swap3A_199 = arith.index_cast %add3A_198 : i32 to index
        %swap3A_200 = tpu.vector_load %arg17[%swap3A_199] {strides = array<i32>} : memref<81920xf32, #tpu.memory_space<vmem>>, vector<16xf32>,
        tpu.vector_store %arg17[%swap3A_199], %broadcast_in_dim3A_53 {strides = array<i32>} : memref<81920xf32, #tpu.memory_space<vmem>>, vector<16xf32>,
        %add3A_201 = arith.constant 96 : i32
        %add3A_202 = arith.addi %mul3A_176, %add3A_201 : i32
        %swap3A_203 = arith.index_cast %add3A_202 : i32 to index
        %swap3A_204 = tpu.vector_load %arg17[%swap3A_203] {strides = array<i32>} : memref<81920xf32, #tpu.memory_space<vmem>>, vector<16xf32>,
        tpu.vector_store %arg17[%swap3A_203], %broadcast_in_dim3A_53 {strides = array<i32>} : memref<81920xf32, #tpu.memory_space<vmem>>, vector<16xf32>,
        %add3A_205 = arith.constant 112 : i32
        %add3A_206 = arith.addi %mul3A_176, %add3A_205 : i32
        %swap3A_207 = arith.index_cast %add3A_206 : i32 to index
        %swap3A_208 = tpu.vector_load %arg17[%swap3A_207] {strides = array<i32>} : memref<81920xf32, #tpu.memory_space<vmem>>, vector<16xf32>,
        tpu.vector_store %arg17[%swap3A_207], %broadcast_in_dim3A_53 {strides = array<i32>} : memref<81920xf32, #tpu.memory_space<vmem>>, vector<16xf32>,
        %add3A_209 = arith.constant 128 : i32
        %add3A_210 = arith.addi %mul3A_176, %add3A_209 : i32
        %swap3A_211 = arith.index_cast %add3A_210 : i32 to index
        %swap3A_212 = tpu.vector_load %arg17[%swap3A_211] {strides = array<i32>} : memref<81920xf32, #tpu.memory_space<vmem>>, vector<16xf32>,
        tpu.vector_store %arg17[%swap3A_211], %broadcast_in_dim3A_53 {strides = array<i32>} : memref<81920xf32, #tpu.memory_space<vmem>>, vector<16xf32>,
        %add3A_213 = arith.constant 144 : i32
        %add3A_214 = arith.addi %mul3A_176, %add3A_213 : i32
        %swap3A_215 = arith.index_cast %add3A_214 : i32 to index
        %swap3A_216 = tpu.vector_load %arg17[%swap3A_215] {strides = array<i32>} : memref<81920xf32, #tpu.memory_space<vmem>>, vector<16xf32>,
        tpu.vector_store %arg17[%swap3A_215], %broadcast_in_dim3A_53 {strides = array<i32>} : memref<81920xf32, #tpu.memory_space<vmem>>, vector<16xf32>,
        %add3A_217 = arith.constant 160 : i32
        %add3A_218 = arith.addi %mul3A_176, %add3A_217 : i32
        %swap3A_219 = arith.index_cast %add3A_218 : i32 to index
        %swap3A_220 = tpu.vector_load %arg17[%swap3A_219] {strides = array<i32>} : memref<81920xf32, #tpu.memory_space<vmem>>, vector<16xf32>,
        tpu.vector_store %arg17[%swap3A_219], %broadcast_in_dim3A_53 {strides = array<i32>} : memref<81920xf32, #tpu.memory_space<vmem>>, vector<16xf32>,
        %add3A_221 = arith.constant 176 : i32
        %add3A_222 = arith.addi %mul3A_176, %add3A_221 : i32
        %swap3A_223 = arith.index_cast %add3A_222 : i32 to index
        %swap3A_224 = tpu.vector_load %arg17[%swap3A_223] {strides = array<i32>} : memref<81920xf32, #tpu.memory_space<vmem>>, vector<16xf32>,
        tpu.vector_store %arg17[%swap3A_223], %broadcast_in_dim3A_53 {strides = array<i32>} : memref<81920xf32, #tpu.memory_space<vmem>>, vector<16xf32>,
        %add3A_225 = arith.constant 192 : i32
        %add3A_226 = arith.addi %mul3A_176, %add3A_225 : i32
        %swap3A_227 = arith.index_cast %add3A_226 : i32 to index
        %swap3A_228 = tpu.vector_load %arg17[%swap3A_227] {strides = array<i32>} : memref<81920xf32, #tpu.memory_space<vmem>>, vector<16xf32>,
        tpu.vector_store %arg17[%swap3A_227], %broadcast_in_dim3A_53 {strides = array<i32>} : memref<81920xf32, #tpu.memory_space<vmem>>, vector<16xf32>,
        %add3A_229 = arith.constant 208 : i32
        %add3A_230 = arith.addi %mul3A_176, %add3A_229 : i32
        %swap3A_231 = arith.index_cast %add3A_230 : i32 to index
        %swap3A_232 = tpu.vector_load %arg17[%swap3A_231] {strides = array<i32>} : memref<81920xf32, #tpu.memory_space<vmem>>, vector<16xf32>,
        tpu.vector_store %arg17[%swap3A_231], %broadcast_in_dim3A_53 {strides = array<i32>} : memref<81920xf32, #tpu.memory_space<vmem>>, vector<16xf32>,
        %add3A_233 = arith.constant 224 : i32
        %add3A_234 = arith.addi %mul3A_176, %add3A_233 : i32
        %swap3A_235 = arith.index_cast %add3A_234 : i32 to index
        %swap3A_236 = tpu.vector_load %arg17[%swap3A_235] {strides = array<i32>} : memref<81920xf32, #tpu.memory_space<vmem>>, vector<16xf32>,
        tpu.vector_store %arg17[%swap3A_235], %broadcast_in_dim3A_53 {strides = array<i32>} : memref<81920xf32, #tpu.memory_space<vmem>>, vector<16xf32>,
        %add3A_237 = arith.constant 240 : i32
        %add3A_238 = arith.addi %mul3A_176, %add3A_237 : i32
        %swap3A_239 = arith.index_cast %add3A_238 : i32 to index
        %swap3A_240 = tpu.vector_load %arg17[%swap3A_239] {strides = array<i32>} : memref<81920xf32, #tpu.memory_space<vmem>>, vector<16xf32>,
        tpu.vector_store %arg17[%swap3A_239], %broadcast_in_dim3A_53 {strides = array<i32>} : memref<81920xf32, #tpu.memory_space<vmem>>, vector<16xf32>,
        %add3A_241 = arith.constant 256 : i32
        %add3A_242 = arith.addi %mul3A_176, %add3A_241 : i32
        %swap3A_243 = arith.index_cast %add3A_242 : i32 to index
        %swap3A_244 = tpu.vector_load %arg17[%swap3A_243] {strides = array<i32>} : memref<81920xf32, #tpu.memory_space<vmem>>, vector<16xf32>,
        tpu.vector_store %arg17[%swap3A_243], %broadcast_in_dim3A_53 {strides = array<i32>} : memref<81920xf32, #tpu.memory_space<vmem>>, vector<16xf32>,
        %add3A_245 = arith.constant 272 : i32
        %add3A_246 = arith.addi %mul3A_176, %add3A_245 : i32
        %swap3A_247 = arith.index_cast %add3A_246 : i32 to index
        %swap3A_248 = tpu.vector_load %arg17[%swap3A_247] {strides = array<i32>} : memref<81920xf32, #tpu.memory_space<vmem>>, vector<16xf32>,
        tpu.vector_store %arg17[%swap3A_247], %broadcast_in_dim3A_53 {strides = array<i32>} : memref<81920xf32, #tpu.memory_space<vmem>>, vector<16xf32>,
        %add3A_249 = arith.constant 288 : i32
        %add3A_250 = arith.addi %mul3A_176, %add3A_249 : i32
        %swap3A_251 = arith.index_cast %add3A_250 : i32 to index
        %swap3A_252 = tpu.vector_load %arg17[%swap3A_251] {strides = array<i32>} : memref<81920xf32, #tpu.memory_space<vmem>>, vector<16xf32>,
        tpu.vector_store %arg17[%swap3A_251], %broadcast_in_dim3A_53 {strides = array<i32>} : memref<81920xf32, #tpu.memory_space<vmem>>, vector<16xf32>,
        %add3A_253 = arith.constant 304 : i32
        %add3A_254 = arith.addi %mul3A_176, %add3A_253 : i32
        %swap3A_255 = arith.index_cast %add3A_254 : i32 to index
        %swap3A_256 = tpu.vector_load %arg17[%swap3A_255] {strides = array<i32>} : memref<81920xf32, #tpu.memory_space<vmem>>, vector<16xf32>,
        tpu.vector_store %arg17[%swap3A_255], %broadcast_in_dim3A_53 {strides = array<i32>} : memref<81920xf32, #tpu.memory_space<vmem>>, vector<16xf32>,
        %add3A_257 = arith.constant 320 : i32
        %add3A_258 = arith.addi %mul3A_176, %add3A_257 : i32
        %swap3A_259 = arith.index_cast %add3A_258 : i32 to index
        %swap3A_260 = tpu.vector_load %arg17[%swap3A_259] {strides = array<i32>} : memref<81920xf32, #tpu.memory_space<vmem>>, vector<16xf32>,
        tpu.vector_store %arg17[%swap3A_259], %broadcast_in_dim3A_53 {strides = array<i32>} : memref<81920xf32, #tpu.memory_space<vmem>>, vector<16xf32>,
        %add3A_261 = arith.constant 336 : i32
        %add3A_262 = arith.addi %mul3A_176, %add3A_261 : i32
        %swap3A_263 = arith.index_cast %add3A_262 : i32 to index
        %swap3A_264 = tpu.vector_load %arg17[%swap3A_263] {strides = array<i32>} : memref<81920xf32, #tpu.memory_space<vmem>>, vector<16xf32>,
        tpu.vector_store %arg17[%swap3A_263], %broadcast_in_dim3A_53 {strides = array<i32>} : memref<81920xf32, #tpu.memory_space<vmem>>, vector<16xf32>,
        %add3A_265 = arith.constant 352 : i32
        %add3A_266 = arith.addi %mul3A_176, %add3A_265 : i32
        %swap3A_267 = arith.index_cast %add3A_266 : i32 to index
        %swap3A_268 = tpu.vector_load %arg17[%swap3A_267] {strides = array<i32>} : memref<81920xf32, #tpu.memory_space<vmem>>, vector<16xf32>,
        tpu.vector_store %arg17[%swap3A_267], %broadcast_in_dim3A_53 {strides = array<i32>} : memref<81920xf32, #tpu.memory_space<vmem>>, vector<16xf32>,
        %add3A_269 = arith.constant 368 : i32
        %add3A_270 = arith.addi %mul3A_176, %add3A_269 : i32
        %swap3A_271 = arith.index_cast %add3A_270 : i32 to index
        %swap3A_272 = tpu.vector_load %arg17[%swap3A_271] {strides = array<i32>} : memref<81920xf32, #tpu.memory_space<vmem>>, vector<16xf32>,
        tpu.vector_store %arg17[%swap3A_271], %broadcast_in_dim3A_53 {strides = array<i32>} : memref<81920xf32, #tpu.memory_space<vmem>>, vector<16xf32>,
        %add3A_273 = arith.constant 384 : i32
        %add3A_274 = arith.addi %mul3A_176, %add3A_273 : i32
        %swap3A_275 = arith.index_cast %add3A_274 : i32 to index
        %swap3A_276 = tpu.vector_load %arg17[%swap3A_275] {strides = array<i32>} : memref<81920xf32, #tpu.memory_space<vmem>>, vector<16xf32>,
        tpu.vector_store %arg17[%swap3A_275], %broadcast_in_dim3A_53 {strides = array<i32>} : memref<81920xf32, #tpu.memory_space<vmem>>, vector<16xf32>,
        %add3A_277 = arith.constant 400 : i32
        %add3A_278 = arith.addi %mul3A_176, %add3A_277 : i32
        %swap3A_279 = arith.index_cast %add3A_278 : i32 to index
        %swap3A_280 = tpu.vector_load %arg17[%swap3A_279] {strides = array<i32>} : memref<81920xf32, #tpu.memory_space<vmem>>, vector<16xf32>,
        tpu.vector_store %arg17[%swap3A_279], %broadcast_in_dim3A_53 {strides = array<i32>} : memref<81920xf32, #tpu.memory_space<vmem>>, vector<16xf32>,
        %add3A_281 = arith.constant 416 : i32
        %add3A_282 = arith.addi %mul3A_176, %add3A_281 : i32
        %swap3A_283 = arith.index_cast %add3A_282 : i32 to index
        %swap3A_284 = tpu.vector_load %arg17[%swap3A_283] {strides = array<i32>} : memref<81920xf32, #tpu.memory_space<vmem>>, vector<16xf32>,
        tpu.vector_store %arg17[%swap3A_283], %broadcast_in_dim3A_53 {strides = array<i32>} : memref<81920xf32, #tpu.memory_space<vmem>>, vector<16xf32>,
        %add3A_285 = arith.constant 432 : i32
        %add3A_286 = arith.addi %mul3A_176, %add3A_285 : i32
        %swap3A_287 = arith.index_cast %add3A_286 : i32 to index
        %swap3A_288 = tpu.vector_load %arg17[%swap3A_287] {strides = array<i32>} : memref<81920xf32, #tpu.memory_space<vmem>>, vector<16xf32>,
        tpu.vector_store %arg17[%swap3A_287], %broadcast_in_dim3A_53 {strides = array<i32>} : memref<81920xf32, #tpu.memory_space<vmem>>, vector<16xf32>,
        %add3A_289 = arith.constant 448 : i32
        %add3A_290 = arith.addi %mul3A_176, %add3A_289 : i32
        %swap3A_291 = arith.index_cast %add3A_290 : i32 to index
        %swap3A_292 = tpu.vector_load %arg17[%swap3A_291] {strides = array<i32>} : memref<81920xf32, #tpu.memory_space<vmem>>, vector<16xf32>,
        tpu.vector_store %arg17[%swap3A_291], %broadcast_in_dim3A_53 {strides = array<i32>} : memref<81920xf32, #tpu.memory_space<vmem>>, vector<16xf32>,
        %add3A_293 = arith.constant 464 : i32
        %add3A_294 = arith.addi %mul3A_176, %add3A_293 : i32
        %swap3A_295 = arith.index_cast %add3A_294 : i32 to index
        %swap3A_296 = tpu.vector_load %arg17[%swap3A_295] {strides = array<i32>} : memref<81920xf32, #tpu.memory_space<vmem>>, vector<16xf32>,
        tpu.vector_store %arg17[%swap3A_295], %broadcast_in_dim3A_53 {strides = array<i32>} : memref<81920xf32, #tpu.memory_space<vmem>>, vector<16xf32>,
        %add3A_297 = arith.constant 480 : i32
        %add3A_298 = arith.addi %mul3A_176, %add3A_297 : i32
        %swap3A_299 = arith.index_cast %add3A_298 : i32 to index
        %swap3A_300 = tpu.vector_load %arg17[%swap3A_299] {strides = array<i32>} : memref<81920xf32, #tpu.memory_space<vmem>>, vector<16xf32>,
        tpu.vector_store %arg17[%swap3A_299], %broadcast_in_dim3A_53 {strides = array<i32>} : memref<81920xf32, #tpu.memory_space<vmem>>, vector<16xf32>,
        %add3A_301 = arith.constant 496 : i32
        %add3A_302 = arith.addi %mul3A_176, %add3A_301 : i32
        %swap3A_303 = arith.index_cast %add3A_302 : i32 to index
        %swap3A_304 = tpu.vector_load %arg17[%swap3A_303] {strides = array<i32>} : memref<81920xf32, #tpu.memory_space<vmem>>, vector<16xf32>,
        tpu.vector_store %arg17[%swap3A_303], %broadcast_in_dim3A_53 {strides = array<i32>} : memref<81920xf32, #tpu.memory_space<vmem>>, vector<16xf32>,
        %add3A_305 = arith.constant 512 : i32
        %add3A_306 = arith.addi %mul3A_176, %add3A_305 : i32
        %swap3A_307 = arith.index_cast %add3A_306 : i32 to index
        %swap3A_308 = tpu.vector_load %arg17[%swap3A_307] {strides = array<i32>} : memref<81920xf32, #tpu.memory_space<vmem>>, vector<16xf32>,
        tpu.vector_store %arg17[%swap3A_307], %broadcast_in_dim3A_53 {strides = array<i32>} : memref<81920xf32, #tpu.memory_space<vmem>>, vector<16xf32>,
        %add3A_309 = arith.constant 528 : i32
        %add3A_310 = arith.addi %mul3A_176, %add3A_309 : i32
        %swap3A_311 = arith.index_cast %add3A_310 : i32 to index
        %swap3A_312 = tpu.vector_load %arg17[%swap3A_311] {strides = array<i32>} : memref<81920xf32, #tpu.memory_space<vmem>>, vector<16xf32>,
        tpu.vector_store %arg17[%swap3A_311], %broadcast_in_dim3A_53 {strides = array<i32>} : memref<81920xf32, #tpu.memory_space<vmem>>, vector<16xf32>,
        %add3A_313 = arith.constant 544 : i32
        %add3A_314 = arith.addi %mul3A_176, %add3A_313 : i32
        %swap3A_315 = arith.index_cast %add3A_314 : i32 to index
        %swap3A_316 = tpu.vector_load %arg17[%swap3A_315] {strides = array<i32>} : memref<81920xf32, #tpu.memory_space<vmem>>, vector<16xf32>,
        tpu.vector_store %arg17[%swap3A_315], %broadcast_in_dim3A_53 {strides = array<i32>} : memref<81920xf32, #tpu.memory_space<vmem>>, vector<16xf32>,
        %add3A_317 = arith.constant 560 : i32
        %add3A_318 = arith.addi %mul3A_176, %add3A_317 : i32
        %swap3A_319 = arith.index_cast %add3A_318 : i32 to index
        %swap3A_320 = tpu.vector_load %arg17[%swap3A_319] {strides = array<i32>} : memref<81920xf32, #tpu.memory_space<vmem>>, vector<16xf32>,
        tpu.vector_store %arg17[%swap3A_319], %broadcast_in_dim3A_53 {strides = array<i32>} : memref<81920xf32, #tpu.memory_space<vmem>>, vector<16xf32>,
        %add3A_321 = arith.constant 576 : i32
        %add3A_322 = arith.addi %mul3A_176, %add3A_321 : i32
        %swap3A_323 = arith.index_cast %add3A_322 : i32 to index
        %swap3A_324 = tpu.vector_load %arg17[%swap3A_323] {strides = array<i32>} : memref<81920xf32, #tpu.memory_space<vmem>>, vector<16xf32>,
        tpu.vector_store %arg17[%swap3A_323], %broadcast_in_dim3A_53 {strides = array<i32>} : memref<81920xf32, #tpu.memory_space<vmem>>, vector<16xf32>,
        %add3A_325 = arith.constant 592 : i32
        %add3A_326 = arith.addi %mul3A_176, %add3A_325 : i32
        %swap3A_327 = arith.index_cast %add3A_326 : i32 to index
        %swap3A_328 = tpu.vector_load %arg17[%swap3A_327] {strides = array<i32>} : memref<81920xf32, #tpu.memory_space<vmem>>, vector<16xf32>,
        tpu.vector_store %arg17[%swap3A_327], %broadcast_in_dim3A_53 {strides = array<i32>} : memref<81920xf32, #tpu.memory_space<vmem>>, vector<16xf32>,
        %add3A_329 = arith.constant 608 : i32
        %add3A_330 = arith.addi %mul3A_176, %add3A_329 : i32
        %swap3A_331 = arith.index_cast %add3A_330 : i32 to index
        %swap3A_332 = tpu.vector_load %arg17[%swap3A_331] {strides = array<i32>} : memref<81920xf32, #tpu.memory_space<vmem>>, vector<16xf32>,
        tpu.vector_store %arg17[%swap3A_331], %broadcast_in_dim3A_53 {strides = array<i32>} : memref<81920xf32, #tpu.memory_space<vmem>>, vector<16xf32>,
        %add3A_333 = arith.constant 624 : i32
        %add3A_334 = arith.addi %mul3A_176, %add3A_333 : i32
        %swap3A_335 = arith.index_cast %add3A_334 : i32 to index
        %swap3A_336 = tpu.vector_load %arg17[%swap3A_335] {strides = array<i32>} : memref<81920xf32, #tpu.memory_space<vmem>>, vector<16xf32>,
        tpu.vector_store %arg17[%swap3A_335], %broadcast_in_dim3A_53 {strides = array<i32>} : memref<81920xf32, #tpu.memory_space<vmem>>, vector<16xf32>,
        %add3A_337 = arith.constant 640 : i32
        %add3A_338 = arith.addi %mul3A_176, %add3A_337 : i32
        %swap3A_339 = arith.index_cast %add3A_338 : i32 to index
        %swap3A_340 = tpu.vector_load %arg17[%swap3A_339] {strides = array<i32>} : memref<81920xf32, #tpu.memory_space<vmem>>, vector<16xf32>,
        tpu.vector_store %arg17[%swap3A_339], %broadcast_in_dim3A_53 {strides = array<i32>} : memref<81920xf32, #tpu.memory_space<vmem>>, vector<16xf32>,
        %add3A_341 = arith.constant 656 : i32
        %add3A_342 = arith.addi %mul3A_176, %add3A_341 : i32
        %swap3A_343 = arith.index_cast %add3A_342 : i32 to index
        %swap3A_344 = tpu.vector_load %arg17[%swap3A_343] {strides = array<i32>} : memref<81920xf32, #tpu.memory_space<vmem>>, vector<16xf32>,
        tpu.vector_store %arg17[%swap3A_343], %broadcast_in_dim3A_53 {strides = array<i32>} : memref<81920xf32, #tpu.memory_space<vmem>>, vector<16xf32>,
        %add3A_345 = arith.constant 672 : i32
        %add3A_346 = arith.addi %mul3A_176, %add3A_345 : i32
        %swap3A_347 = arith.index_cast %add3A_346 : i32 to index
        %swap3A_348 = tpu.vector_load %arg17[%swap3A_347] {strides = array<i32>} : memref<81920xf32, #tpu.memory_space<vmem>>, vector<16xf32>,
        tpu.vector_store %arg17[%swap3A_347], %broadcast_in_dim3A_53 {strides = array<i32>} : memref<81920xf32, #tpu.memory_space<vmem>>, vector<16xf32>,
        %add3A_349 = arith.constant 688 : i32
        %add3A_350 = arith.addi %mul3A_176, %add3A_349 : i32
        %swap3A_351 = arith.index_cast %add3A_350 : i32 to index
        %swap3A_352 = tpu.vector_load %arg17[%swap3A_351] {strides = array<i32>} : memref<81920xf32, #tpu.memory_space<vmem>>, vector<16xf32>,
        tpu.vector_store %arg17[%swap3A_351], %broadcast_in_dim3A_53 {strides = array<i32>} : memref<81920xf32, #tpu.memory_space<vmem>>, vector<16xf32>,
        %add3A_353 = arith.constant 704 : i32
        %add3A_354 = arith.addi %mul3A_176, %add3A_353 : i32
        %swap3A_355 = arith.index_cast %add3A_354 : i32 to index
        %swap3A_356 = tpu.vector_load %arg17[%swap3A_355] {strides = array<i32>} : memref<81920xf32, #tpu.memory_space<vmem>>, vector<16xf32>,
        tpu.vector_store %arg17[%swap3A_355], %broadcast_in_dim3A_53 {strides = array<i32>} : memref<81920xf32, #tpu.memory_space<vmem>>, vector<16xf32>,
        %add3A_357 = arith.constant 720 : i32
        %add3A_358 = arith.addi %mul3A_176, %add3A_357 : i32
        %swap3A_359 = arith.index_cast %add3A_358 : i32 to index
        %swap3A_360 = tpu.vector_load %arg17[%swap3A_359] {strides = array<i32>} : memref<81920xf32, #tpu.memory_space<vmem>>, vector<16xf32>,
        tpu.vector_store %arg17[%swap3A_359], %broadcast_in_dim3A_53 {strides = array<i32>} : memref<81920xf32, #tpu.memory_space<vmem>>, vector<16xf32>,
        %add3A_361 = arith.constant 736 : i32
        %add3A_362 = arith.addi %mul3A_176, %add3A_361 : i32
        %swap3A_363 = arith.index_cast %add3A_362 : i32 to index
        %swap3A_364 = tpu.vector_load %arg17[%swap3A_363] {strides = array<i32>} : memref<81920xf32, #tpu.memory_space<vmem>>, vector<16xf32>,
        tpu.vector_store %arg17[%swap3A_363], %broadcast_in_dim3A_53 {strides = array<i32>} : memref<81920xf32, #tpu.memory_space<vmem>>, vector<16xf32>,
        %add3A_365 = arith.constant 752 : i32
        %add3A_366 = arith.addi %mul3A_176, %add3A_365 : i32
        %swap3A_367 = arith.index_cast %add3A_366 : i32 to index
        %swap3A_368 = tpu.vector_load %arg17[%swap3A_367] {strides = array<i32>} : memref<81920xf32, #tpu.memory_space<vmem>>, vector<16xf32>,
        tpu.vector_store %arg17[%swap3A_367], %broadcast_in_dim3A_53 {strides = array<i32>} : memref<81920xf32, #tpu.memory_space<vmem>>, vector<16xf32>,
        %add3A_369 = arith.constant 768 : i32
        %add3A_370 = arith.addi %mul3A_176, %add3A_369 : i32
        %swap3A_371 = arith.index_cast %add3A_370 : i32 to index
        %swap3A_372 = tpu.vector_load %arg17[%swap3A_371] {strides = array<i32>} : memref<81920xf32, #tpu.memory_space<vmem>>, vector<16xf32>,
        tpu.vector_store %arg17[%swap3A_371], %broadcast_in_dim3A_53 {strides = array<i32>} : memref<81920xf32, #tpu.memory_space<vmem>>, vector<16xf32>,
        %add3A_373 = arith.constant 784 : i32
        %add3A_374 = arith.addi %mul3A_176, %add3A_373 : i32
        %swap3A_375 = arith.index_cast %add3A_374 : i32 to index
        %swap3A_376 = tpu.vector_load %arg17[%swap3A_375] {strides = array<i32>} : memref<81920xf32, #tpu.memory_space<vmem>>, vector<16xf32>,
        tpu.vector_store %arg17[%swap3A_375], %broadcast_in_dim3A_53 {strides = array<i32>} : memref<81920xf32, #tpu.memory_space<vmem>>, vector<16xf32>,
        %add3A_377 = arith.constant 800 : i32
        %add3A_378 = arith.addi %mul3A_176, %add3A_377 : i32
        %swap3A_379 = arith.index_cast %add3A_378 : i32 to index
        %swap3A_380 = tpu.vector_load %arg17[%swap3A_379] {strides = array<i32>} : memref<81920xf32, #tpu.memory_space<vmem>>, vector<16xf32>,
        tpu.vector_store %arg17[%swap3A_379], %broadcast_in_dim3A_53 {strides = array<i32>} : memref<81920xf32, #tpu.memory_space<vmem>>, vector<16xf32>,
        %add3A_381 = arith.constant 816 : i32
        %add3A_382 = arith.addi %mul3A_176, %add3A_381 : i32
        %swap3A_383 = arith.index_cast %add3A_382 : i32 to index
        %swap3A_384 = tpu.vector_load %arg17[%swap3A_383] {strides = array<i32>} : memref<81920xf32, #tpu.memory_space<vmem>>, vector<16xf32>,
        tpu.vector_store %arg17[%swap3A_383], %broadcast_in_dim3A_53 {strides = array<i32>} : memref<81920xf32, #tpu.memory_space<vmem>>, vector<16xf32>,
        %add3A_385 = arith.constant 832 : i32
        %add3A_386 = arith.addi %mul3A_176, %add3A_385 : i32
        %swap3A_387 = arith.index_cast %add3A_386 : i32 to index
        %swap3A_388 = tpu.vector_load %arg17[%swap3A_387] {strides = array<i32>} : memref<81920xf32, #tpu.memory_space<vmem>>, vector<16xf32>,
        tpu.vector_store %arg17[%swap3A_387], %broadcast_in_dim3A_53 {strides = array<i32>} : memref<81920xf32, #tpu.memory_space<vmem>>, vector<16xf32>,
        %add3A_389 = arith.constant 848 : i32
        %add3A_390 = arith.addi %mul3A_176, %add3A_389 : i32
        %swap3A_391 = arith.index_cast %add3A_390 : i32 to index
        %swap3A_392 = tpu.vector_load %arg17[%swap3A_391] {strides = array<i32>} : memref<81920xf32, #tpu.memory_space<vmem>>, vector<16xf32>,
        tpu.vector_store %arg17[%swap3A_391], %broadcast_in_dim3A_53 {strides = array<i32>} : memref<81920xf32, #tpu.memory_space<vmem>>, vector<16xf32>,
        %add3A_393 = arith.constant 864 : i32
        %add3A_394 = arith.addi %mul3A_176, %add3A_393 : i32
        %swap3A_395 = arith.index_cast %add3A_394 : i32 to index
        %swap3A_396 = tpu.vector_load %arg17[%swap3A_395] {strides = array<i32>} : memref<81920xf32, #tpu.memory_space<vmem>>, vector<16xf32>,
        tpu.vector_store %arg17[%swap3A_395], %broadcast_in_dim3A_53 {strides = array<i32>} : memref<81920xf32, #tpu.memory_space<vmem>>, vector<16xf32>,
        %add3A_397 = arith.constant 880 : i32
        %add3A_398 = arith.addi %mul3A_176, %add3A_397 : i32
        %swap3A_399 = arith.index_cast %add3A_398 : i32 to index
        %swap3A_400 = tpu.vector_load %arg17[%swap3A_399] {strides = array<i32>} : memref<81920xf32, #tpu.memory_space<vmem>>, vector<16xf32>,
        tpu.vector_store %arg17[%swap3A_399], %broadcast_in_dim3A_53 {strides = array<i32>} : memref<81920xf32, #tpu.memory_space<vmem>>, vector<16xf32>,
        %add3A_401 = arith.constant 896 : i32
        %add3A_402 = arith.addi %mul3A_176, %add3A_401 : i32
        %swap3A_403 = arith.index_cast %add3A_402 : i32 to index
        %swap3A_404 = tpu.vector_load %arg17[%swap3A_403] {strides = array<i32>} : memref<81920xf32, #tpu.memory_space<vmem>>, vector<16xf32>,
        tpu.vector_store %arg17[%swap3A_403], %broadcast_in_dim3A_53 {strides = array<i32>} : memref<81920xf32, #tpu.memory_space<vmem>>, vector<16xf32>,
        %add3A_405 = arith.constant 912 : i32
        %add3A_406 = arith.addi %mul3A_176, %add3A_405 : i32
        %swap3A_407 = arith.index_cast %add3A_406 : i32 to index
        %swap3A_408 = tpu.vector_load %arg17[%swap3A_407] {strides = array<i32>} : memref<81920xf32, #tpu.memory_space<vmem>>, vector<16xf32>,
        tpu.vector_store %arg17[%swap3A_407], %broadcast_in_dim3A_53 {strides = array<i32>} : memref<81920xf32, #tpu.memory_space<vmem>>, vector<16xf32>,
        %add3A_409 = arith.constant 928 : i32
        %add3A_410 = arith.addi %mul3A_176, %add3A_409 : i32
        %swap3A_411 = arith.index_cast %add3A_410 : i32 to index
        %swap3A_412 = tpu.vector_load %arg17[%swap3A_411] {strides = array<i32>} : memref<81920xf32, #tpu.memory_space<vmem>>, vector<16xf32>,
        tpu.vector_store %arg17[%swap3A_411], %broadcast_in_dim3A_53 {strides = array<i32>} : memref<81920xf32, #tpu.memory_space<vmem>>, vector<16xf32>,
        %add3A_413 = arith.constant 944 : i32
        %add3A_414 = arith.addi %mul3A_176, %add3A_413 : i32
        %swap3A_415 = arith.index_cast %add3A_414 : i32 to index
        %swap3A_416 = tpu.vector_load %arg17[%swap3A_415] {strides = array<i32>} : memref<81920xf32, #tpu.memory_space<vmem>>, vector<16xf32>,
        tpu.vector_store %arg17[%swap3A_415], %broadcast_in_dim3A_53 {strides = array<i32>} : memref<81920xf32, #tpu.memory_space<vmem>>, vector<16xf32>,
        %add3A_417 = arith.constant 960 : i32
        %add3A_418 = arith.addi %mul3A_176, %add3A_417 : i32
        %swap3A_419 = arith.index_cast %add3A_418 : i32 to index
        %swap3A_420 = tpu.vector_load %arg17[%swap3A_419] {strides = array<i32>} : memref<81920xf32, #tpu.memory_space<vmem>>, vector<16xf32>,
        tpu.vector_store %arg17[%swap3A_419], %broadcast_in_dim3A_53 {strides = array<i32>} : memref<81920xf32, #tpu.memory_space<vmem>>, vector<16xf32>,
        %add3A_421 = arith.constant 976 : i32
        %add3A_422 = arith.addi %mul3A_176, %add3A_421 : i32
        %swap3A_423 = arith.index_cast %add3A_422 : i32 to index
        %swap3A_424 = tpu.vector_load %arg17[%swap3A_423] {strides = array<i32>} : memref<81920xf32, #tpu.memory_space<vmem>>, vector<16xf32>,
        tpu.vector_store %arg17[%swap3A_423], %broadcast_in_dim3A_53 {strides = array<i32>} : memref<81920xf32, #tpu.memory_space<vmem>>, vector<16xf32>,
        %add3A_425 = arith.constant 992 : i32
        %add3A_426 = arith.addi %mul3A_176, %add3A_425 : i32
        %swap3A_427 = arith.index_cast %add3A_426 : i32 to index
        %swap3A_428 = tpu.vector_load %arg17[%swap3A_427] {strides = array<i32>} : memref<81920xf32, #tpu.memory_space<vmem>>, vector<16xf32>,
        tpu.vector_store %arg17[%swap3A_427], %broadcast_in_dim3A_53 {strides = array<i32>} : memref<81920xf32, #tpu.memory_space<vmem>>, vector<16xf32>,
        %add3A_429 = arith.constant 1008 : i32
        %add3A_430 = arith.addi %mul3A_176, %add3A_429 : i32
        %swap3A_431 = arith.index_cast %add3A_430 : i32 to index
        %swap3A_432 = tpu.vector_load %arg17[%swap3A_431] {strides = array<i32>} : memref<81920xf32, #tpu.memory_space<vmem>>, vector<16xf32>,
        tpu.vector_store %arg17[%swap3A_431], %broadcast_in_dim3A_53 {strides = array<i32>} : memref<81920xf32, #tpu.memory_space<vmem>>, vector<16xf32>,
        %add3A_433 = arith.constant 1024 : i32
        %add3A_434 = arith.addi %mul3A_176, %add3A_433 : i32
        %swap3A_435 = arith.index_cast %add3A_434 : i32 to index
        %swap3A_436 = tpu.vector_load %arg17[%swap3A_435] {strides = array<i32>} : memref<81920xf32, #tpu.memory_space<vmem>>, vector<16xf32>,
        tpu.vector_store %arg17[%swap3A_435], %broadcast_in_dim3A_53 {strides = array<i32>} : memref<81920xf32, #tpu.memory_space<vmem>>, vector<16xf32>,
        %add3A_437 = arith.constant 1040 : i32
        %add3A_438 = arith.addi %mul3A_176, %add3A_437 : i32
        %swap3A_439 = arith.index_cast %add3A_438 : i32 to index
        %swap3A_440 = tpu.vector_load %arg17[%swap3A_439] {strides = array<i32>} : memref<81920xf32, #tpu.memory_space<vmem>>, vector<16xf32>,
        tpu.vector_store %arg17[%swap3A_439], %broadcast_in_dim3A_53 {strides = array<i32>} : memref<81920xf32, #tpu.memory_space<vmem>>, vector<16xf32>,
        %add3A_441 = arith.constant 1056 : i32
        %add3A_442 = arith.addi %mul3A_176, %add3A_441 : i32
        %swap3A_443 = arith.index_cast %add3A_442 : i32 to index
        %swap3A_444 = tpu.vector_load %arg17[%swap3A_443] {strides = array<i32>} : memref<81920xf32, #tpu.memory_space<vmem>>, vector<16xf32>,
        tpu.vector_store %arg17[%swap3A_443], %broadcast_in_dim3A_53 {strides = array<i32>} : memref<81920xf32, #tpu.memory_space<vmem>>, vector<16xf32>,
        %add3A_445 = arith.constant 1072 : i32
        %add3A_446 = arith.addi %mul3A_176, %add3A_445 : i32
        %swap3A_447 = arith.index_cast %add3A_446 : i32 to index
        %swap3A_448 = tpu.vector_load %arg17[%swap3A_447] {strides = array<i32>} : memref<81920xf32, #tpu.memory_space<vmem>>, vector<16xf32>,
        tpu.vector_store %arg17[%swap3A_447], %broadcast_in_dim3A_53 {strides = array<i32>} : memref<81920xf32, #tpu.memory_space<vmem>>, vector<16xf32>,
        %add3A_449 = arith.constant 1088 : i32
        %add3A_450 = arith.addi %mul3A_176, %add3A_449 : i32
        %swap3A_451 = arith.index_cast %add3A_450 : i32 to index
        %swap3A_452 = tpu.vector_load %arg17[%swap3A_451] {strides = array<i32>} : memref<81920xf32, #tpu.memory_space<vmem>>, vector<16xf32>,
        tpu.vector_store %arg17[%swap3A_451], %broadcast_in_dim3A_53 {strides = array<i32>} : memref<81920xf32, #tpu.memory_space<vmem>>, vector<16xf32>,
        %add3A_453 = arith.constant 1104 : i32
        %add3A_454 = arith.addi %mul3A_176, %add3A_453 : i32
        %swap3A_455 = arith.index_cast %add3A_454 : i32 to index
        %swap3A_456 = tpu.vector_load %arg17[%swap3A_455] {strides = array<i32>} : memref<81920xf32, #tpu.memory_space<vmem>>, vector<16xf32>,
        tpu.vector_store %arg17[%swap3A_455], %broadcast_in_dim3A_53 {strides = array<i32>} : memref<81920xf32, #tpu.memory_space<vmem>>, vector<16xf32>,
        %add3A_457 = arith.constant 1120 : i32
        %add3A_458 = arith.addi %mul3A_176, %add3A_457 : i32
        %swap3A_459 = arith.index_cast %add3A_458 : i32 to index
        %swap3A_460 = tpu.vector_load %arg17[%swap3A_459] {strides = array<i32>} : memref<81920xf32, #tpu.memory_space<vmem>>, vector<16xf32>,
        tpu.vector_store %arg17[%swap3A_459], %broadcast_in_dim3A_53 {strides = array<i32>} : memref<81920xf32, #tpu.memory_space<vmem>>, vector<16xf32>,
        %add3A_461 = arith.constant 1136 : i32
        %add3A_462 = arith.addi %mul3A_176, %add3A_461 : i32
        %swap3A_463 = arith.index_cast %add3A_462 : i32 to index
        %swap3A_464 = tpu.vector_load %arg17[%swap3A_463] {strides = array<i32>} : memref<81920xf32, #tpu.memory_space<vmem>>, vector<16xf32>,
        tpu.vector_store %arg17[%swap3A_463], %broadcast_in_dim3A_53 {strides = array<i32>} : memref<81920xf32, #tpu.memory_space<vmem>>, vector<16xf32>,
        %add3A_465 = arith.constant 1152 : i32
        %add3A_466 = arith.addi %mul3A_176, %add3A_465 : i32
        %swap3A_467 = arith.index_cast %add3A_466 : i32 to index
        %swap3A_468 = tpu.vector_load %arg17[%swap3A_467] {strides = array<i32>} : memref<81920xf32, #tpu.memory_space<vmem>>, vector<16xf32>,
        tpu.vector_store %arg17[%swap3A_467], %broadcast_in_dim3A_53 {strides = array<i32>} : memref<81920xf32, #tpu.memory_space<vmem>>, vector<16xf32>,
        %add3A_469 = arith.constant 1168 : i32
        %add3A_470 = arith.addi %mul3A_176, %add3A_469 : i32
        %swap3A_471 = arith.index_cast %add3A_470 : i32 to index
        %swap3A_472 = tpu.vector_load %arg17[%swap3A_471] {strides = array<i32>} : memref<81920xf32, #tpu.memory_space<vmem>>, vector<16xf32>,
        tpu.vector_store %arg17[%swap3A_471], %broadcast_in_dim3A_53 {strides = array<i32>} : memref<81920xf32, #tpu.memory_space<vmem>>, vector<16xf32>,
        %add3A_473 = arith.constant 1184 : i32
        %add3A_474 = arith.addi %mul3A_176, %add3A_473 : i32
        %swap3A_475 = arith.index_cast %add3A_474 : i32 to index
        %swap3A_476 = tpu.vector_load %arg17[%swap3A_475] {strides = array<i32>} : memref<81920xf32, #tpu.memory_space<vmem>>, vector<16xf32>,
        tpu.vector_store %arg17[%swap3A_475], %broadcast_in_dim3A_53 {strides = array<i32>} : memref<81920xf32, #tpu.memory_space<vmem>>, vector<16xf32>,
        %add3A_477 = arith.constant 1200 : i32
        %add3A_478 = arith.addi %mul3A_176, %add3A_477 : i32
        %swap3A_479 = arith.index_cast %add3A_478 : i32 to index
        %swap3A_480 = tpu.vector_load %arg17[%swap3A_479] {strides = array<i32>} : memref<81920xf32, #tpu.memory_space<vmem>>, vector<16xf32>,
        tpu.vector_store %arg17[%swap3A_479], %broadcast_in_dim3A_53 {strides = array<i32>} : memref<81920xf32, #tpu.memory_space<vmem>>, vector<16xf32>,
        %add3A_481 = arith.constant 1216 : i32
        %add3A_482 = arith.addi %mul3A_176, %add3A_481 : i32
        %swap3A_483 = arith.index_cast %add3A_482 : i32 to index
        %swap3A_484 = tpu.vector_load %arg17[%swap3A_483] {strides = array<i32>} : memref<81920xf32, #tpu.memory_space<vmem>>, vector<16xf32>,
        tpu.vector_store %arg17[%swap3A_483], %broadcast_in_dim3A_53 {strides = array<i32>} : memref<81920xf32, #tpu.memory_space<vmem>>, vector<16xf32>,
        %add3A_485 = arith.constant 1232 : i32
        %add3A_486 = arith.addi %mul3A_176, %add3A_485 : i32
        %swap3A_487 = arith.index_cast %add3A_486 : i32 to index
        %swap3A_488 = tpu.vector_load %arg17[%swap3A_487] {strides = array<i32>} : memref<81920xf32, #tpu.memory_space<vmem>>, vector<16xf32>,
        tpu.vector_store %arg17[%swap3A_487], %broadcast_in_dim3A_53 {strides = array<i32>} : memref<81920xf32, #tpu.memory_space<vmem>>, vector<16xf32>,
        %add3A_489 = arith.constant 1248 : i32
        %add3A_490 = arith.addi %mul3A_176, %add3A_489 : i32
        %swap3A_491 = arith.index_cast %add3A_490 : i32 to index
        %swap3A_492 = tpu.vector_load %arg17[%swap3A_491] {strides = array<i32>} : memref<81920xf32, #tpu.memory_space<vmem>>, vector<16xf32>,
        tpu.vector_store %arg17[%swap3A_491], %broadcast_in_dim3A_53 {strides = array<i32>} : memref<81920xf32, #tpu.memory_space<vmem>>, vector<16xf32>,
        %add3A_493 = arith.constant 1264 : i32
        %add3A_494 = arith.addi %mul3A_176, %add3A_493 : i32
        %swap3A_495 = arith.index_cast %add3A_494 : i32 to index
        %swap3A_496 = tpu.vector_load %arg17[%swap3A_495] {strides = array<i32>} : memref<81920xf32, #tpu.memory_space<vmem>>, vector<16xf32>,
        tpu.vector_store %arg17[%swap3A_495], %broadcast_in_dim3A_53 {strides = array<i32>} : memref<81920xf32, #tpu.memory_space<vmem>>, vector<16xf32>,
        %convert_element_type3A = arith.fptosi %gather3A_147 : vector<16xf32> to vector<16xi32>
        %add3A_497 = vector.broadcast %mul3A_176 : i32 to vector<16xi32>
        %add3A_498 = arith.addi %add3A_497, %convert_element_type3A : vector<16xi32>
        %add3A_499 = arith.addi %mul3A_50, %add3A_498 : vector<16xi32>
        tpu.vector_store_idx %arg17[%add3A_499], %broadcast_in_dim3A_51 masked %ge3A : memref<81920xf32, #tpu.memory_space<vmem>>[vector<16xi32>], vector<16xf32>, vector<16xi1>
        %mul3A_500 = arith.constant 16 : i32
        %mul3A_501 = arith.muli %add3A_92, %mul3A_500 : i32
        %sub3A_502 = arith.subf %scan3A_122#4, %scan3A_122#3 : vector<16xf32>
        %mul3A_503 = arith.constant 5.000000e-01 : f32
        %mul3A_504 = vector.broadcast %mul3A_503 : f32 to vector<16xf32>
        %mul3A_505 = arith.mulf %mul3A_504, %sub3A_502 : vector<16xf32>
        %ge3A_506 = arith.cmpf oge, %scan3A_122#3, %mul3A_505 : vector<16xf32>
        %mul3A_507 = arith.constant 4.000000e-01 : f32
        %mul3A_508 = vector.broadcast %mul3A_507 : f32 to vector<16xf32>
        %mul3A_509 = arith.mulf %mul3A_508, %sub3A_502 : vector<16xf32>
        %gt3A_510 = arith.cmpf ogt, %scan3A_122#3, %mul3A_509 : vector<16xf32>
        %not3A_511 = arith.constant dense<true> : vector<16xi1>
        %not3A_512 = arith.xori %ge3A_506, %not3A_511 : vector<16xi1>
        %and3A_513 = arith.andi %gt3A_510, %not3A_512 : vector<16xi1>
        %jit3A_514 = arith.constant -1.000000e+00 : f32
        %jit3A_515 = arith.constant 0.000000e+00 : f32
        %broadcast_in_dim3A_516 = vector.broadcast %jit3A_514 : f32 to vector<16xf32>
        %broadcast_in_dim3A_517 = vector.broadcast %jit3A_515 : f32 to vector<16xf32>
        %select_n3A_518 = arith.select %and3A_513, %broadcast_in_dim3A_516, %broadcast_in_dim3A_517 : vector<16xi1>, vector<16xf32>
        %jit3A_519 = arith.constant 1.000000e+00 : f32
        %broadcast_in_dim3A_520 = vector.broadcast %jit3A_519 : f32 to vector<16xf32>
        %select_n3A_521 = arith.select %ge3A_506, %broadcast_in_dim3A_520, %select_n3A_518 : vector<16xi1>, vector<16xf32>
        %swap3A_522 = arith.index_cast %mul3A_501 : i32 to index
        %swap3A_523 = tpu.vector_load %arg19[%swap3A_522] {strides = array<i32>} : memref<1024xf32, #tpu.memory_space<vmem>>, vector<16xf32>,
        tpu.vector_store %arg19[%swap3A_522], %select_n3A_521 {strides = array<i32>} : memref<1024xf32, #tpu.memory_space<vmem>>, vector<16xf32>,
        %gather3A_524 = tpu.vector_load_idx %arg7[%scan3A_122#5] : memref<112xf32, #tpu.memory_space<vmem>>[vector<16xi32>], vector<16xf32>,
        %gather3A_525 = tpu.vector_load_idx %arg8[%scan3A_122#5] : memref<112xf32, #tpu.memory_space<vmem>>[vector<16xi32>], vector<16xf32>,
        %gather3A_526 = tpu.vector_load_idx %arg9[%scan3A_122#5] : memref<112xf32, #tpu.memory_space<vmem>>[vector<16xi32>], vector<16xf32>,
        %gather3A_527 = tpu.vector_load_idx %arg10[%scan3A_122#5] : memref<112xf32, #tpu.memory_space<vmem>>[vector<16xi32>], vector<16xf32>,
        %gather3A_528 = tpu.vector_load_idx %arg12[%scan3A_122#5] : memref<112xf32, #tpu.memory_space<vmem>>[vector<16xi32>], vector<16xf32>,
        %div3A_529 = arith.constant 5.000000e+00 : f32
        %div3A_530 = vector.broadcast %div3A_529 : f32 to vector<16xf32>
        %div3A_531 = arith.divf %div3A_530, %sub3A_115 : vector<16xf32>
        %div3A_532 = arith.constant 5.000000e+00 : f32
        %div3A_533 = vector.broadcast %div3A_532 : f32 to vector<16xf32>
        %div3A_534 = arith.divf %div3A_533, %sub3A_116 : vector<16xf32>
        %mul3A_535 = arith.constant 64 : i32
        %mul3A_536 = arith.muli %add3A_92, %mul3A_535 : i32
        %add3A_537 = vector.broadcast %mul3A_536 : i32 to vector<16xi32>
        %add3A_538 = arith.addi %mul3A_47, %add3A_537 : vector<16xi32>
        %sub3A_539 = arith.subf %gather3A_524, %get3A_105 : vector<16xf32>
        %mul3A_540 = arith.mulf %sub3A_539, %div3A_531 : vector<16xf32>
        tpu.vector_store_idx %arg18[%add3A_538], %mul3A_540 : memref<4096xf32, #tpu.memory_space<vmem>>[vector<16xi32>], vector<16xf32>,
        %add3A_541 = arith.constant 1 : i32
        %add3A_542 = vector.broadcast %add3A_541 : i32 to vector<16xi32>
        %add3A_543 = arith.addi %add3A_538, %add3A_542 : vector<16xi32>
        %sub3A_544 = arith.subf %gather3A_525, %get3A_107 : vector<16xf32>
        %mul3A_545 = arith.mulf %sub3A_544, %div3A_534 : vector<16xf32>
        tpu.vector_store_idx %arg18[%add3A_543], %mul3A_545 : memref<4096xf32, #tpu.memory_space<vmem>>[vector<16xi32>], vector<16xf32>,
        %add3A_546 = arith.constant 2 : i32
        %add3A_547 = vector.broadcast %add3A_546 : i32 to vector<16xi32>
        %add3A_548 = arith.addi %add3A_538, %add3A_547 : vector<16xi32>
        %sub3A_549 = arith.subf %gather3A_526, %get3A_109 : vector<16xf32>
        %mul3A_550 = arith.mulf %sub3A_549, %div3A_531 : vector<16xf32>
        tpu.vector_store_idx %arg18[%add3A_548], %mul3A_550 : memref<4096xf32, #tpu.memory_space<vmem>>[vector<16xi32>], vector<16xf32>,
        %add3A_551 = arith.constant 3 : i32
        %add3A_552 = vector.broadcast %add3A_551 : i32 to vector<16xi32>
        %add3A_553 = arith.addi %add3A_538, %add3A_552 : vector<16xi32>
        %sub3A_554 = arith.subf %gather3A_527, %get3A_111 : vector<16xf32>
        %mul3A_555 = arith.mulf %sub3A_554, %div3A_534 : vector<16xf32>
        tpu.vector_store_idx %arg18[%add3A_553], %mul3A_555 : memref<4096xf32, #tpu.memory_space<vmem>>[vector<16xi32>], vector<16xf32>,
        %mul3A_556 = arith.constant 1280 : i32
        %mul3A_557 = arith.muli %add3A_92, %mul3A_556 : i32
        %add3A_558 = arith.constant 0 : i32
        %add3A_559 = arith.addi %mul3A_557, %add3A_558 : i32
        %swap3A_560 = arith.index_cast %add3A_559 : i32 to index
        %swap3A_561 = tpu.vector_load %arg17[%swap3A_560] {strides = array<i32>} : memref<81920xf32, #tpu.memory_space<vmem>>, vector<16xf32>,
        tpu.vector_store %arg17[%swap3A_560], %broadcast_in_dim3A_53 {strides = array<i32>} : memref<81920xf32, #tpu.memory_space<vmem>>, vector<16xf32>,
        %add3A_562 = arith.constant 16 : i32
        %add3A_563 = arith.addi %mul3A_557, %add3A_562 : i32
        %swap3A_564 = arith.index_cast %add3A_563 : i32 to index
        %swap3A_565 = tpu.vector_load %arg17[%swap3A_564] {strides = array<i32>} : memref<81920xf32, #tpu.memory_space<vmem>>, vector<16xf32>,
        tpu.vector_store %arg17[%swap3A_564], %broadcast_in_dim3A_53 {strides = array<i32>} : memref<81920xf32, #tpu.memory_space<vmem>>, vector<16xf32>,
        %add3A_566 = arith.constant 32 : i32
        %add3A_567 = arith.addi %mul3A_557, %add3A_566 : i32
        %swap3A_568 = arith.index_cast %add3A_567 : i32 to index
        %swap3A_569 = tpu.vector_load %arg17[%swap3A_568] {strides = array<i32>} : memref<81920xf32, #tpu.memory_space<vmem>>, vector<16xf32>,
        tpu.vector_store %arg17[%swap3A_568], %broadcast_in_dim3A_53 {strides = array<i32>} : memref<81920xf32, #tpu.memory_space<vmem>>, vector<16xf32>,
        %add3A_570 = arith.constant 48 : i32
        %add3A_571 = arith.addi %mul3A_557, %add3A_570 : i32
        %swap3A_572 = arith.index_cast %add3A_571 : i32 to index
        %swap3A_573 = tpu.vector_load %arg17[%swap3A_572] {strides = array<i32>} : memref<81920xf32, #tpu.memory_space<vmem>>, vector<16xf32>,
        tpu.vector_store %arg17[%swap3A_572], %broadcast_in_dim3A_53 {strides = array<i32>} : memref<81920xf32, #tpu.memory_space<vmem>>, vector<16xf32>,
        %add3A_574 = arith.constant 64 : i32
        %add3A_575 = arith.addi %mul3A_557, %add3A_574 : i32
        %swap3A_576 = arith.index_cast %add3A_575 : i32 to index
        %swap3A_577 = tpu.vector_load %arg17[%swap3A_576] {strides = array<i32>} : memref<81920xf32, #tpu.memory_space<vmem>>, vector<16xf32>,
        tpu.vector_store %arg17[%swap3A_576], %broadcast_in_dim3A_53 {strides = array<i32>} : memref<81920xf32, #tpu.memory_space<vmem>>, vector<16xf32>,
        %add3A_578 = arith.constant 80 : i32
        %add3A_579 = arith.addi %mul3A_557, %add3A_578 : i32
        %swap3A_580 = arith.index_cast %add3A_579 : i32 to index
        %swap3A_581 = tpu.vector_load %arg17[%swap3A_580] {strides = array<i32>} : memref<81920xf32, #tpu.memory_space<vmem>>, vector<16xf32>,
        tpu.vector_store %arg17[%swap3A_580], %broadcast_in_dim3A_53 {strides = array<i32>} : memref<81920xf32, #tpu.memory_space<vmem>>, vector<16xf32>,
        %add3A_582 = arith.constant 96 : i32
        %add3A_583 = arith.addi %mul3A_557, %add3A_582 : i32
        %swap3A_584 = arith.index_cast %add3A_583 : i32 to index
        %swap3A_585 = tpu.vector_load %arg17[%swap3A_584] {strides = array<i32>} : memref<81920xf32, #tpu.memory_space<vmem>>, vector<16xf32>,
        tpu.vector_store %arg17[%swap3A_584], %broadcast_in_dim3A_53 {strides = array<i32>} : memref<81920xf32, #tpu.memory_space<vmem>>, vector<16xf32>,
        %add3A_586 = arith.constant 112 : i32
        %add3A_587 = arith.addi %mul3A_557, %add3A_586 : i32
        %swap3A_588 = arith.index_cast %add3A_587 : i32 to index
        %swap3A_589 = tpu.vector_load %arg17[%swap3A_588] {strides = array<i32>} : memref<81920xf32, #tpu.memory_space<vmem>>, vector<16xf32>,
        tpu.vector_store %arg17[%swap3A_588], %broadcast_in_dim3A_53 {strides = array<i32>} : memref<81920xf32, #tpu.memory_space<vmem>>, vector<16xf32>,
        %add3A_590 = arith.constant 128 : i32
        %add3A_591 = arith.addi %mul3A_557, %add3A_590 : i32
        %swap3A_592 = arith.index_cast %add3A_591 : i32 to index
        %swap3A_593 = tpu.vector_load %arg17[%swap3A_592] {strides = array<i32>} : memref<81920xf32, #tpu.memory_space<vmem>>, vector<16xf32>,
        tpu.vector_store %arg17[%swap3A_592], %broadcast_in_dim3A_53 {strides = array<i32>} : memref<81920xf32, #tpu.memory_space<vmem>>, vector<16xf32>,
        %add3A_594 = arith.constant 144 : i32
        %add3A_595 = arith.addi %mul3A_557, %add3A_594 : i32
        %swap3A_596 = arith.index_cast %add3A_595 : i32 to index
        %swap3A_597 = tpu.vector_load %arg17[%swap3A_596] {strides = array<i32>} : memref<81920xf32, #tpu.memory_space<vmem>>, vector<16xf32>,
        tpu.vector_store %arg17[%swap3A_596], %broadcast_in_dim3A_53 {strides = array<i32>} : memref<81920xf32, #tpu.memory_space<vmem>>, vector<16xf32>,
        %add3A_598 = arith.constant 160 : i32
        %add3A_599 = arith.addi %mul3A_557, %add3A_598 : i32
        %swap3A_600 = arith.index_cast %add3A_599 : i32 to index
        %swap3A_601 = tpu.vector_load %arg17[%swap3A_600] {strides = array<i32>} : memref<81920xf32, #tpu.memory_space<vmem>>, vector<16xf32>,
        tpu.vector_store %arg17[%swap3A_600], %broadcast_in_dim3A_53 {strides = array<i32>} : memref<81920xf32, #tpu.memory_space<vmem>>, vector<16xf32>,
        %add3A_602 = arith.constant 176 : i32
        %add3A_603 = arith.addi %mul3A_557, %add3A_602 : i32
        %swap3A_604 = arith.index_cast %add3A_603 : i32 to index
        %swap3A_605 = tpu.vector_load %arg17[%swap3A_604] {strides = array<i32>} : memref<81920xf32, #tpu.memory_space<vmem>>, vector<16xf32>,
        tpu.vector_store %arg17[%swap3A_604], %broadcast_in_dim3A_53 {strides = array<i32>} : memref<81920xf32, #tpu.memory_space<vmem>>, vector<16xf32>,
        %add3A_606 = arith.constant 192 : i32
        %add3A_607 = arith.addi %mul3A_557, %add3A_606 : i32
        %swap3A_608 = arith.index_cast %add3A_607 : i32 to index
        %swap3A_609 = tpu.vector_load %arg17[%swap3A_608] {strides = array<i32>} : memref<81920xf32, #tpu.memory_space<vmem>>, vector<16xf32>,
        tpu.vector_store %arg17[%swap3A_608], %broadcast_in_dim3A_53 {strides = array<i32>} : memref<81920xf32, #tpu.memory_space<vmem>>, vector<16xf32>,
        %add3A_610 = arith.constant 208 : i32
        %add3A_611 = arith.addi %mul3A_557, %add3A_610 : i32
        %swap3A_612 = arith.index_cast %add3A_611 : i32 to index
        %swap3A_613 = tpu.vector_load %arg17[%swap3A_612] {strides = array<i32>} : memref<81920xf32, #tpu.memory_space<vmem>>, vector<16xf32>,
        tpu.vector_store %arg17[%swap3A_612], %broadcast_in_dim3A_53 {strides = array<i32>} : memref<81920xf32, #tpu.memory_space<vmem>>, vector<16xf32>,
        %add3A_614 = arith.constant 224 : i32
        %add3A_615 = arith.addi %mul3A_557, %add3A_614 : i32
        %swap3A_616 = arith.index_cast %add3A_615 : i32 to index
        %swap3A_617 = tpu.vector_load %arg17[%swap3A_616] {strides = array<i32>} : memref<81920xf32, #tpu.memory_space<vmem>>, vector<16xf32>,
        tpu.vector_store %arg17[%swap3A_616], %broadcast_in_dim3A_53 {strides = array<i32>} : memref<81920xf32, #tpu.memory_space<vmem>>, vector<16xf32>,
        %add3A_618 = arith.constant 240 : i32
        %add3A_619 = arith.addi %mul3A_557, %add3A_618 : i32
        %swap3A_620 = arith.index_cast %add3A_619 : i32 to index
        %swap3A_621 = tpu.vector_load %arg17[%swap3A_620] {strides = array<i32>} : memref<81920xf32, #tpu.memory_space<vmem>>, vector<16xf32>,
        tpu.vector_store %arg17[%swap3A_620], %broadcast_in_dim3A_53 {strides = array<i32>} : memref<81920xf32, #tpu.memory_space<vmem>>, vector<16xf32>,
        %add3A_622 = arith.constant 256 : i32
        %add3A_623 = arith.addi %mul3A_557, %add3A_622 : i32
        %swap3A_624 = arith.index_cast %add3A_623 : i32 to index
        %swap3A_625 = tpu.vector_load %arg17[%swap3A_624] {strides = array<i32>} : memref<81920xf32, #tpu.memory_space<vmem>>, vector<16xf32>,
        tpu.vector_store %arg17[%swap3A_624], %broadcast_in_dim3A_53 {strides = array<i32>} : memref<81920xf32, #tpu.memory_space<vmem>>, vector<16xf32>,
        %add3A_626 = arith.constant 272 : i32
        %add3A_627 = arith.addi %mul3A_557, %add3A_626 : i32
        %swap3A_628 = arith.index_cast %add3A_627 : i32 to index
        %swap3A_629 = tpu.vector_load %arg17[%swap3A_628] {strides = array<i32>} : memref<81920xf32, #tpu.memory_space<vmem>>, vector<16xf32>,
        tpu.vector_store %arg17[%swap3A_628], %broadcast_in_dim3A_53 {strides = array<i32>} : memref<81920xf32, #tpu.memory_space<vmem>>, vector<16xf32>,
        %add3A_630 = arith.constant 288 : i32
        %add3A_631 = arith.addi %mul3A_557, %add3A_630 : i32
        %swap3A_632 = arith.index_cast %add3A_631 : i32 to index
        %swap3A_633 = tpu.vector_load %arg17[%swap3A_632] {strides = array<i32>} : memref<81920xf32, #tpu.memory_space<vmem>>, vector<16xf32>,
        tpu.vector_store %arg17[%swap3A_632], %broadcast_in_dim3A_53 {strides = array<i32>} : memref<81920xf32, #tpu.memory_space<vmem>>, vector<16xf32>,
        %add3A_634 = arith.constant 304 : i32
        %add3A_635 = arith.addi %mul3A_557, %add3A_634 : i32
        %swap3A_636 = arith.index_cast %add3A_635 : i32 to index
        %swap3A_637 = tpu.vector_load %arg17[%swap3A_636] {strides = array<i32>} : memref<81920xf32, #tpu.memory_space<vmem>>, vector<16xf32>,
        tpu.vector_store %arg17[%swap3A_636], %broadcast_in_dim3A_53 {strides = array<i32>} : memref<81920xf32, #tpu.memory_space<vmem>>, vector<16xf32>,
        %add3A_638 = arith.constant 320 : i32
        %add3A_639 = arith.addi %mul3A_557, %add3A_638 : i32
        %swap3A_640 = arith.index_cast %add3A_639 : i32 to index
        %swap3A_641 = tpu.vector_load %arg17[%swap3A_640] {strides = array<i32>} : memref<81920xf32, #tpu.memory_space<vmem>>, vector<16xf32>,
        tpu.vector_store %arg17[%swap3A_640], %broadcast_in_dim3A_53 {strides = array<i32>} : memref<81920xf32, #tpu.memory_space<vmem>>, vector<16xf32>,
        %add3A_642 = arith.constant 336 : i32
        %add3A_643 = arith.addi %mul3A_557, %add3A_642 : i32
        %swap3A_644 = arith.index_cast %add3A_643 : i32 to index
        %swap3A_645 = tpu.vector_load %arg17[%swap3A_644] {strides = array<i32>} : memref<81920xf32, #tpu.memory_space<vmem>>, vector<16xf32>,
        tpu.vector_store %arg17[%swap3A_644], %broadcast_in_dim3A_53 {strides = array<i32>} : memref<81920xf32, #tpu.memory_space<vmem>>, vector<16xf32>,
        %add3A_646 = arith.constant 352 : i32
        %add3A_647 = arith.addi %mul3A_557, %add3A_646 : i32
        %swap3A_648 = arith.index_cast %add3A_647 : i32 to index
        %swap3A_649 = tpu.vector_load %arg17[%swap3A_648] {strides = array<i32>} : memref<81920xf32, #tpu.memory_space<vmem>>, vector<16xf32>,
        tpu.vector_store %arg17[%swap3A_648], %broadcast_in_dim3A_53 {strides = array<i32>} : memref<81920xf32, #tpu.memory_space<vmem>>, vector<16xf32>,
        %add3A_650 = arith.constant 368 : i32
        %add3A_651 = arith.addi %mul3A_557, %add3A_650 : i32
        %swap3A_652 = arith.index_cast %add3A_651 : i32 to index
        %swap3A_653 = tpu.vector_load %arg17[%swap3A_652] {strides = array<i32>} : memref<81920xf32, #tpu.memory_space<vmem>>, vector<16xf32>,
        tpu.vector_store %arg17[%swap3A_652], %broadcast_in_dim3A_53 {strides = array<i32>} : memref<81920xf32, #tpu.memory_space<vmem>>, vector<16xf32>,
        %add3A_654 = arith.constant 384 : i32
        %add3A_655 = arith.addi %mul3A_557, %add3A_654 : i32
        %swap3A_656 = arith.index_cast %add3A_655 : i32 to index
        %swap3A_657 = tpu.vector_load %arg17[%swap3A_656] {strides = array<i32>} : memref<81920xf32, #tpu.memory_space<vmem>>, vector<16xf32>,
        tpu.vector_store %arg17[%swap3A_656], %broadcast_in_dim3A_53 {strides = array<i32>} : memref<81920xf32, #tpu.memory_space<vmem>>, vector<16xf32>,
        %add3A_658 = arith.constant 400 : i32
        %add3A_659 = arith.addi %mul3A_557, %add3A_658 : i32
        %swap3A_660 = arith.index_cast %add3A_659 : i32 to index
        %swap3A_661 = tpu.vector_load %arg17[%swap3A_660] {strides = array<i32>} : memref<81920xf32, #tpu.memory_space<vmem>>, vector<16xf32>,
        tpu.vector_store %arg17[%swap3A_660], %broadcast_in_dim3A_53 {strides = array<i32>} : memref<81920xf32, #tpu.memory_space<vmem>>, vector<16xf32>,
        %add3A_662 = arith.constant 416 : i32
        %add3A_663 = arith.addi %mul3A_557, %add3A_662 : i32
        %swap3A_664 = arith.index_cast %add3A_663 : i32 to index
        %swap3A_665 = tpu.vector_load %arg17[%swap3A_664] {strides = array<i32>} : memref<81920xf32, #tpu.memory_space<vmem>>, vector<16xf32>,
        tpu.vector_store %arg17[%swap3A_664], %broadcast_in_dim3A_53 {strides = array<i32>} : memref<81920xf32, #tpu.memory_space<vmem>>, vector<16xf32>,
        %add3A_666 = arith.constant 432 : i32
        %add3A_667 = arith.addi %mul3A_557, %add3A_666 : i32
        %swap3A_668 = arith.index_cast %add3A_667 : i32 to index
        %swap3A_669 = tpu.vector_load %arg17[%swap3A_668] {strides = array<i32>} : memref<81920xf32, #tpu.memory_space<vmem>>, vector<16xf32>,
        tpu.vector_store %arg17[%swap3A_668], %broadcast_in_dim3A_53 {strides = array<i32>} : memref<81920xf32, #tpu.memory_space<vmem>>, vector<16xf32>,
        %add3A_670 = arith.constant 448 : i32
        %add3A_671 = arith.addi %mul3A_557, %add3A_670 : i32
        %swap3A_672 = arith.index_cast %add3A_671 : i32 to index
        %swap3A_673 = tpu.vector_load %arg17[%swap3A_672] {strides = array<i32>} : memref<81920xf32, #tpu.memory_space<vmem>>, vector<16xf32>,
        tpu.vector_store %arg17[%swap3A_672], %broadcast_in_dim3A_53 {strides = array<i32>} : memref<81920xf32, #tpu.memory_space<vmem>>, vector<16xf32>,
        %add3A_674 = arith.constant 464 : i32
        %add3A_675 = arith.addi %mul3A_557, %add3A_674 : i32
        %swap3A_676 = arith.index_cast %add3A_675 : i32 to index
        %swap3A_677 = tpu.vector_load %arg17[%swap3A_676] {strides = array<i32>} : memref<81920xf32, #tpu.memory_space<vmem>>, vector<16xf32>,
        tpu.vector_store %arg17[%swap3A_676], %broadcast_in_dim3A_53 {strides = array<i32>} : memref<81920xf32, #tpu.memory_space<vmem>>, vector<16xf32>,
        %add3A_678 = arith.constant 480 : i32
        %add3A_679 = arith.addi %mul3A_557, %add3A_678 : i32
        %swap3A_680 = arith.index_cast %add3A_679 : i32 to index
        %swap3A_681 = tpu.vector_load %arg17[%swap3A_680] {strides = array<i32>} : memref<81920xf32, #tpu.memory_space<vmem>>, vector<16xf32>,
        tpu.vector_store %arg17[%swap3A_680], %broadcast_in_dim3A_53 {strides = array<i32>} : memref<81920xf32, #tpu.memory_space<vmem>>, vector<16xf32>,
        %add3A_682 = arith.constant 496 : i32
        %add3A_683 = arith.addi %mul3A_557, %add3A_682 : i32
        %swap3A_684 = arith.index_cast %add3A_683 : i32 to index
        %swap3A_685 = tpu.vector_load %arg17[%swap3A_684] {strides = array<i32>} : memref<81920xf32, #tpu.memory_space<vmem>>, vector<16xf32>,
        tpu.vector_store %arg17[%swap3A_684], %broadcast_in_dim3A_53 {strides = array<i32>} : memref<81920xf32, #tpu.memory_space<vmem>>, vector<16xf32>,
        %add3A_686 = arith.constant 512 : i32
        %add3A_687 = arith.addi %mul3A_557, %add3A_686 : i32
        %swap3A_688 = arith.index_cast %add3A_687 : i32 to index
        %swap3A_689 = tpu.vector_load %arg17[%swap3A_688] {strides = array<i32>} : memref<81920xf32, #tpu.memory_space<vmem>>, vector<16xf32>,
        tpu.vector_store %arg17[%swap3A_688], %broadcast_in_dim3A_53 {strides = array<i32>} : memref<81920xf32, #tpu.memory_space<vmem>>, vector<16xf32>,
        %add3A_690 = arith.constant 528 : i32
        %add3A_691 = arith.addi %mul3A_557, %add3A_690 : i32
        %swap3A_692 = arith.index_cast %add3A_691 : i32 to index
        %swap3A_693 = tpu.vector_load %arg17[%swap3A_692] {strides = array<i32>} : memref<81920xf32, #tpu.memory_space<vmem>>, vector<16xf32>,
        tpu.vector_store %arg17[%swap3A_692], %broadcast_in_dim3A_53 {strides = array<i32>} : memref<81920xf32, #tpu.memory_space<vmem>>, vector<16xf32>,
        %add3A_694 = arith.constant 544 : i32
        %add3A_695 = arith.addi %mul3A_557, %add3A_694 : i32
        %swap3A_696 = arith.index_cast %add3A_695 : i32 to index
        %swap3A_697 = tpu.vector_load %arg17[%swap3A_696] {strides = array<i32>} : memref<81920xf32, #tpu.memory_space<vmem>>, vector<16xf32>,
        tpu.vector_store %arg17[%swap3A_696], %broadcast_in_dim3A_53 {strides = array<i32>} : memref<81920xf32, #tpu.memory_space<vmem>>, vector<16xf32>,
        %add3A_698 = arith.constant 560 : i32
        %add3A_699 = arith.addi %mul3A_557, %add3A_698 : i32
        %swap3A_700 = arith.index_cast %add3A_699 : i32 to index
        %swap3A_701 = tpu.vector_load %arg17[%swap3A_700] {strides = array<i32>} : memref<81920xf32, #tpu.memory_space<vmem>>, vector<16xf32>,
        tpu.vector_store %arg17[%swap3A_700], %broadcast_in_dim3A_53 {strides = array<i32>} : memref<81920xf32, #tpu.memory_space<vmem>>, vector<16xf32>,
        %add3A_702 = arith.constant 576 : i32
        %add3A_703 = arith.addi %mul3A_557, %add3A_702 : i32
        %swap3A_704 = arith.index_cast %add3A_703 : i32 to index
        %swap3A_705 = tpu.vector_load %arg17[%swap3A_704] {strides = array<i32>} : memref<81920xf32, #tpu.memory_space<vmem>>, vector<16xf32>,
        tpu.vector_store %arg17[%swap3A_704], %broadcast_in_dim3A_53 {strides = array<i32>} : memref<81920xf32, #tpu.memory_space<vmem>>, vector<16xf32>,
        %add3A_706 = arith.constant 592 : i32
        %add3A_707 = arith.addi %mul3A_557, %add3A_706 : i32
        %swap3A_708 = arith.index_cast %add3A_707 : i32 to index
        %swap3A_709 = tpu.vector_load %arg17[%swap3A_708] {strides = array<i32>} : memref<81920xf32, #tpu.memory_space<vmem>>, vector<16xf32>,
        tpu.vector_store %arg17[%swap3A_708], %broadcast_in_dim3A_53 {strides = array<i32>} : memref<81920xf32, #tpu.memory_space<vmem>>, vector<16xf32>,
        %add3A_710 = arith.constant 608 : i32
        %add3A_711 = arith.addi %mul3A_557, %add3A_710 : i32
        %swap3A_712 = arith.index_cast %add3A_711 : i32 to index
        %swap3A_713 = tpu.vector_load %arg17[%swap3A_712] {strides = array<i32>} : memref<81920xf32, #tpu.memory_space<vmem>>, vector<16xf32>,
        tpu.vector_store %arg17[%swap3A_712], %broadcast_in_dim3A_53 {strides = array<i32>} : memref<81920xf32, #tpu.memory_space<vmem>>, vector<16xf32>,
        %add3A_714 = arith.constant 624 : i32
        %add3A_715 = arith.addi %mul3A_557, %add3A_714 : i32
        %swap3A_716 = arith.index_cast %add3A_715 : i32 to index
        %swap3A_717 = tpu.vector_load %arg17[%swap3A_716] {strides = array<i32>} : memref<81920xf32, #tpu.memory_space<vmem>>, vector<16xf32>,
        tpu.vector_store %arg17[%swap3A_716], %broadcast_in_dim3A_53 {strides = array<i32>} : memref<81920xf32, #tpu.memory_space<vmem>>, vector<16xf32>,
        %add3A_718 = arith.constant 640 : i32
        %add3A_719 = arith.addi %mul3A_557, %add3A_718 : i32
        %swap3A_720 = arith.index_cast %add3A_719 : i32 to index
        %swap3A_721 = tpu.vector_load %arg17[%swap3A_720] {strides = array<i32>} : memref<81920xf32, #tpu.memory_space<vmem>>, vector<16xf32>,
        tpu.vector_store %arg17[%swap3A_720], %broadcast_in_dim3A_53 {strides = array<i32>} : memref<81920xf32, #tpu.memory_space<vmem>>, vector<16xf32>,
        %add3A_722 = arith.constant 656 : i32
        %add3A_723 = arith.addi %mul3A_557, %add3A_722 : i32
        %swap3A_724 = arith.index_cast %add3A_723 : i32 to index
        %swap3A_725 = tpu.vector_load %arg17[%swap3A_724] {strides = array<i32>} : memref<81920xf32, #tpu.memory_space<vmem>>, vector<16xf32>,
        tpu.vector_store %arg17[%swap3A_724], %broadcast_in_dim3A_53 {strides = array<i32>} : memref<81920xf32, #tpu.memory_space<vmem>>, vector<16xf32>,
        %add3A_726 = arith.constant 672 : i32
        %add3A_727 = arith.addi %mul3A_557, %add3A_726 : i32
        %swap3A_728 = arith.index_cast %add3A_727 : i32 to index
        %swap3A_729 = tpu.vector_load %arg17[%swap3A_728] {strides = array<i32>} : memref<81920xf32, #tpu.memory_space<vmem>>, vector<16xf32>,
        tpu.vector_store %arg17[%swap3A_728], %broadcast_in_dim3A_53 {strides = array<i32>} : memref<81920xf32, #tpu.memory_space<vmem>>, vector<16xf32>,
        %add3A_730 = arith.constant 688 : i32
        %add3A_731 = arith.addi %mul3A_557, %add3A_730 : i32
        %swap3A_732 = arith.index_cast %add3A_731 : i32 to index
        %swap3A_733 = tpu.vector_load %arg17[%swap3A_732] {strides = array<i32>} : memref<81920xf32, #tpu.memory_space<vmem>>, vector<16xf32>,
        tpu.vector_store %arg17[%swap3A_732], %broadcast_in_dim3A_53 {strides = array<i32>} : memref<81920xf32, #tpu.memory_space<vmem>>, vector<16xf32>,
        %add3A_734 = arith.constant 704 : i32
        %add3A_735 = arith.addi %mul3A_557, %add3A_734 : i32
        %swap3A_736 = arith.index_cast %add3A_735 : i32 to index
        %swap3A_737 = tpu.vector_load %arg17[%swap3A_736] {strides = array<i32>} : memref<81920xf32, #tpu.memory_space<vmem>>, vector<16xf32>,
        tpu.vector_store %arg17[%swap3A_736], %broadcast_in_dim3A_53 {strides = array<i32>} : memref<81920xf32, #tpu.memory_space<vmem>>, vector<16xf32>,
        %add3A_738 = arith.constant 720 : i32
        %add3A_739 = arith.addi %mul3A_557, %add3A_738 : i32
        %swap3A_740 = arith.index_cast %add3A_739 : i32 to index
        %swap3A_741 = tpu.vector_load %arg17[%swap3A_740] {strides = array<i32>} : memref<81920xf32, #tpu.memory_space<vmem>>, vector<16xf32>,
        tpu.vector_store %arg17[%swap3A_740], %broadcast_in_dim3A_53 {strides = array<i32>} : memref<81920xf32, #tpu.memory_space<vmem>>, vector<16xf32>,
        %add3A_742 = arith.constant 736 : i32
        %add3A_743 = arith.addi %mul3A_557, %add3A_742 : i32
        %swap3A_744 = arith.index_cast %add3A_743 : i32 to index
        %swap3A_745 = tpu.vector_load %arg17[%swap3A_744] {strides = array<i32>} : memref<81920xf32, #tpu.memory_space<vmem>>, vector<16xf32>,
        tpu.vector_store %arg17[%swap3A_744], %broadcast_in_dim3A_53 {strides = array<i32>} : memref<81920xf32, #tpu.memory_space<vmem>>, vector<16xf32>,
        %add3A_746 = arith.constant 752 : i32
        %add3A_747 = arith.addi %mul3A_557, %add3A_746 : i32
        %swap3A_748 = arith.index_cast %add3A_747 : i32 to index
        %swap3A_749 = tpu.vector_load %arg17[%swap3A_748] {strides = array<i32>} : memref<81920xf32, #tpu.memory_space<vmem>>, vector<16xf32>,
        tpu.vector_store %arg17[%swap3A_748], %broadcast_in_dim3A_53 {strides = array<i32>} : memref<81920xf32, #tpu.memory_space<vmem>>, vector<16xf32>,
        %add3A_750 = arith.constant 768 : i32
        %add3A_751 = arith.addi %mul3A_557, %add3A_750 : i32
        %swap3A_752 = arith.index_cast %add3A_751 : i32 to index
        %swap3A_753 = tpu.vector_load %arg17[%swap3A_752] {strides = array<i32>} : memref<81920xf32, #tpu.memory_space<vmem>>, vector<16xf32>,
        tpu.vector_store %arg17[%swap3A_752], %broadcast_in_dim3A_53 {strides = array<i32>} : memref<81920xf32, #tpu.memory_space<vmem>>, vector<16xf32>,
        %add3A_754 = arith.constant 784 : i32
        %add3A_755 = arith.addi %mul3A_557, %add3A_754 : i32
        %swap3A_756 = arith.index_cast %add3A_755 : i32 to index
        %swap3A_757 = tpu.vector_load %arg17[%swap3A_756] {strides = array<i32>} : memref<81920xf32, #tpu.memory_space<vmem>>, vector<16xf32>,
        tpu.vector_store %arg17[%swap3A_756], %broadcast_in_dim3A_53 {strides = array<i32>} : memref<81920xf32, #tpu.memory_space<vmem>>, vector<16xf32>,
        %add3A_758 = arith.constant 800 : i32
        %add3A_759 = arith.addi %mul3A_557, %add3A_758 : i32
        %swap3A_760 = arith.index_cast %add3A_759 : i32 to index
        %swap3A_761 = tpu.vector_load %arg17[%swap3A_760] {strides = array<i32>} : memref<81920xf32, #tpu.memory_space<vmem>>, vector<16xf32>,
        tpu.vector_store %arg17[%swap3A_760], %broadcast_in_dim3A_53 {strides = array<i32>} : memref<81920xf32, #tpu.memory_space<vmem>>, vector<16xf32>,
        %add3A_762 = arith.constant 816 : i32
        %add3A_763 = arith.addi %mul3A_557, %add3A_762 : i32
        %swap3A_764 = arith.index_cast %add3A_763 : i32 to index
        %swap3A_765 = tpu.vector_load %arg17[%swap3A_764] {strides = array<i32>} : memref<81920xf32, #tpu.memory_space<vmem>>, vector<16xf32>,
        tpu.vector_store %arg17[%swap3A_764], %broadcast_in_dim3A_53 {strides = array<i32>} : memref<81920xf32, #tpu.memory_space<vmem>>, vector<16xf32>,
        %add3A_766 = arith.constant 832 : i32
        %add3A_767 = arith.addi %mul3A_557, %add3A_766 : i32
        %swap3A_768 = arith.index_cast %add3A_767 : i32 to index
        %swap3A_769 = tpu.vector_load %arg17[%swap3A_768] {strides = array<i32>} : memref<81920xf32, #tpu.memory_space<vmem>>, vector<16xf32>,
        tpu.vector_store %arg17[%swap3A_768], %broadcast_in_dim3A_53 {strides = array<i32>} : memref<81920xf32, #tpu.memory_space<vmem>>, vector<16xf32>,
        %add3A_770 = arith.constant 848 : i32
        %add3A_771 = arith.addi %mul3A_557, %add3A_770 : i32
        %swap3A_772 = arith.index_cast %add3A_771 : i32 to index
        %swap3A_773 = tpu.vector_load %arg17[%swap3A_772] {strides = array<i32>} : memref<81920xf32, #tpu.memory_space<vmem>>, vector<16xf32>,
        tpu.vector_store %arg17[%swap3A_772], %broadcast_in_dim3A_53 {strides = array<i32>} : memref<81920xf32, #tpu.memory_space<vmem>>, vector<16xf32>,
        %add3A_774 = arith.constant 864 : i32
        %add3A_775 = arith.addi %mul3A_557, %add3A_774 : i32
        %swap3A_776 = arith.index_cast %add3A_775 : i32 to index
        %swap3A_777 = tpu.vector_load %arg17[%swap3A_776] {strides = array<i32>} : memref<81920xf32, #tpu.memory_space<vmem>>, vector<16xf32>,
        tpu.vector_store %arg17[%swap3A_776], %broadcast_in_dim3A_53 {strides = array<i32>} : memref<81920xf32, #tpu.memory_space<vmem>>, vector<16xf32>,
        %add3A_778 = arith.constant 880 : i32
        %add3A_779 = arith.addi %mul3A_557, %add3A_778 : i32
        %swap3A_780 = arith.index_cast %add3A_779 : i32 to index
        %swap3A_781 = tpu.vector_load %arg17[%swap3A_780] {strides = array<i32>} : memref<81920xf32, #tpu.memory_space<vmem>>, vector<16xf32>,
        tpu.vector_store %arg17[%swap3A_780], %broadcast_in_dim3A_53 {strides = array<i32>} : memref<81920xf32, #tpu.memory_space<vmem>>, vector<16xf32>,
        %add3A_782 = arith.constant 896 : i32
        %add3A_783 = arith.addi %mul3A_557, %add3A_782 : i32
        %swap3A_784 = arith.index_cast %add3A_783 : i32 to index
        %swap3A_785 = tpu.vector_load %arg17[%swap3A_784] {strides = array<i32>} : memref<81920xf32, #tpu.memory_space<vmem>>, vector<16xf32>,
        tpu.vector_store %arg17[%swap3A_784], %broadcast_in_dim3A_53 {strides = array<i32>} : memref<81920xf32, #tpu.memory_space<vmem>>, vector<16xf32>,
        %add3A_786 = arith.constant 912 : i32
        %add3A_787 = arith.addi %mul3A_557, %add3A_786 : i32
        %swap3A_788 = arith.index_cast %add3A_787 : i32 to index
        %swap3A_789 = tpu.vector_load %arg17[%swap3A_788] {strides = array<i32>} : memref<81920xf32, #tpu.memory_space<vmem>>, vector<16xf32>,
        tpu.vector_store %arg17[%swap3A_788], %broadcast_in_dim3A_53 {strides = array<i32>} : memref<81920xf32, #tpu.memory_space<vmem>>, vector<16xf32>,
        %add3A_790 = arith.constant 928 : i32
        %add3A_791 = arith.addi %mul3A_557, %add3A_790 : i32
        %swap3A_792 = arith.index_cast %add3A_791 : i32 to index
        %swap3A_793 = tpu.vector_load %arg17[%swap3A_792] {strides = array<i32>} : memref<81920xf32, #tpu.memory_space<vmem>>, vector<16xf32>,
        tpu.vector_store %arg17[%swap3A_792], %broadcast_in_dim3A_53 {strides = array<i32>} : memref<81920xf32, #tpu.memory_space<vmem>>, vector<16xf32>,
        %add3A_794 = arith.constant 944 : i32
        %add3A_795 = arith.addi %mul3A_557, %add3A_794 : i32
        %swap3A_796 = arith.index_cast %add3A_795 : i32 to index
        %swap3A_797 = tpu.vector_load %arg17[%swap3A_796] {strides = array<i32>} : memref<81920xf32, #tpu.memory_space<vmem>>, vector<16xf32>,
        tpu.vector_store %arg17[%swap3A_796], %broadcast_in_dim3A_53 {strides = array<i32>} : memref<81920xf32, #tpu.memory_space<vmem>>, vector<16xf32>,
        %add3A_798 = arith.constant 960 : i32
        %add3A_799 = arith.addi %mul3A_557, %add3A_798 : i32
        %swap3A_800 = arith.index_cast %add3A_799 : i32 to index
        %swap3A_801 = tpu.vector_load %arg17[%swap3A_800] {strides = array<i32>} : memref<81920xf32, #tpu.memory_space<vmem>>, vector<16xf32>,
        tpu.vector_store %arg17[%swap3A_800], %broadcast_in_dim3A_53 {strides = array<i32>} : memref<81920xf32, #tpu.memory_space<vmem>>, vector<16xf32>,
        %add3A_802 = arith.constant 976 : i32
        %add3A_803 = arith.addi %mul3A_557, %add3A_802 : i32
        %swap3A_804 = arith.index_cast %add3A_803 : i32 to index
        %swap3A_805 = tpu.vector_load %arg17[%swap3A_804] {strides = array<i32>} : memref<81920xf32, #tpu.memory_space<vmem>>, vector<16xf32>,
        tpu.vector_store %arg17[%swap3A_804], %broadcast_in_dim3A_53 {strides = array<i32>} : memref<81920xf32, #tpu.memory_space<vmem>>, vector<16xf32>,
        %add3A_806 = arith.constant 992 : i32
        %add3A_807 = arith.addi %mul3A_557, %add3A_806 : i32
        %swap3A_808 = arith.index_cast %add3A_807 : i32 to index
        %swap3A_809 = tpu.vector_load %arg17[%swap3A_808] {strides = array<i32>} : memref<81920xf32, #tpu.memory_space<vmem>>, vector<16xf32>,
        tpu.vector_store %arg17[%swap3A_808], %broadcast_in_dim3A_53 {strides = array<i32>} : memref<81920xf32, #tpu.memory_space<vmem>>, vector<16xf32>,
        %add3A_810 = arith.constant 1008 : i32
        %add3A_811 = arith.addi %mul3A_557, %add3A_810 : i32
        %swap3A_812 = arith.index_cast %add3A_811 : i32 to index
        %swap3A_813 = tpu.vector_load %arg17[%swap3A_812] {strides = array<i32>} : memref<81920xf32, #tpu.memory_space<vmem>>, vector<16xf32>,
        tpu.vector_store %arg17[%swap3A_812], %broadcast_in_dim3A_53 {strides = array<i32>} : memref<81920xf32, #tpu.memory_space<vmem>>, vector<16xf32>,
        %add3A_814 = arith.constant 1024 : i32
        %add3A_815 = arith.addi %mul3A_557, %add3A_814 : i32
        %swap3A_816 = arith.index_cast %add3A_815 : i32 to index
        %swap3A_817 = tpu.vector_load %arg17[%swap3A_816] {strides = array<i32>} : memref<81920xf32, #tpu.memory_space<vmem>>, vector<16xf32>,
        tpu.vector_store %arg17[%swap3A_816], %broadcast_in_dim3A_53 {strides = array<i32>} : memref<81920xf32, #tpu.memory_space<vmem>>, vector<16xf32>,
        %add3A_818 = arith.constant 1040 : i32
        %add3A_819 = arith.addi %mul3A_557, %add3A_818 : i32
        %swap3A_820 = arith.index_cast %add3A_819 : i32 to index
        %swap3A_821 = tpu.vector_load %arg17[%swap3A_820] {strides = array<i32>} : memref<81920xf32, #tpu.memory_space<vmem>>, vector<16xf32>,
        tpu.vector_store %arg17[%swap3A_820], %broadcast_in_dim3A_53 {strides = array<i32>} : memref<81920xf32, #tpu.memory_space<vmem>>, vector<16xf32>,
        %add3A_822 = arith.constant 1056 : i32
        %add3A_823 = arith.addi %mul3A_557, %add3A_822 : i32
        %swap3A_824 = arith.index_cast %add3A_823 : i32 to index
        %swap3A_825 = tpu.vector_load %arg17[%swap3A_824] {strides = array<i32>} : memref<81920xf32, #tpu.memory_space<vmem>>, vector<16xf32>,
        tpu.vector_store %arg17[%swap3A_824], %broadcast_in_dim3A_53 {strides = array<i32>} : memref<81920xf32, #tpu.memory_space<vmem>>, vector<16xf32>,
        %add3A_826 = arith.constant 1072 : i32
        %add3A_827 = arith.addi %mul3A_557, %add3A_826 : i32
        %swap3A_828 = arith.index_cast %add3A_827 : i32 to index
        %swap3A_829 = tpu.vector_load %arg17[%swap3A_828] {strides = array<i32>} : memref<81920xf32, #tpu.memory_space<vmem>>, vector<16xf32>,
        tpu.vector_store %arg17[%swap3A_828], %broadcast_in_dim3A_53 {strides = array<i32>} : memref<81920xf32, #tpu.memory_space<vmem>>, vector<16xf32>,
        %add3A_830 = arith.constant 1088 : i32
        %add3A_831 = arith.addi %mul3A_557, %add3A_830 : i32
        %swap3A_832 = arith.index_cast %add3A_831 : i32 to index
        %swap3A_833 = tpu.vector_load %arg17[%swap3A_832] {strides = array<i32>} : memref<81920xf32, #tpu.memory_space<vmem>>, vector<16xf32>,
        tpu.vector_store %arg17[%swap3A_832], %broadcast_in_dim3A_53 {strides = array<i32>} : memref<81920xf32, #tpu.memory_space<vmem>>, vector<16xf32>,
        %add3A_834 = arith.constant 1104 : i32
        %add3A_835 = arith.addi %mul3A_557, %add3A_834 : i32
        %swap3A_836 = arith.index_cast %add3A_835 : i32 to index
        %swap3A_837 = tpu.vector_load %arg17[%swap3A_836] {strides = array<i32>} : memref<81920xf32, #tpu.memory_space<vmem>>, vector<16xf32>,
        tpu.vector_store %arg17[%swap3A_836], %broadcast_in_dim3A_53 {strides = array<i32>} : memref<81920xf32, #tpu.memory_space<vmem>>, vector<16xf32>,
        %add3A_838 = arith.constant 1120 : i32
        %add3A_839 = arith.addi %mul3A_557, %add3A_838 : i32
        %swap3A_840 = arith.index_cast %add3A_839 : i32 to index
        %swap3A_841 = tpu.vector_load %arg17[%swap3A_840] {strides = array<i32>} : memref<81920xf32, #tpu.memory_space<vmem>>, vector<16xf32>,
        tpu.vector_store %arg17[%swap3A_840], %broadcast_in_dim3A_53 {strides = array<i32>} : memref<81920xf32, #tpu.memory_space<vmem>>, vector<16xf32>,
        %add3A_842 = arith.constant 1136 : i32
        %add3A_843 = arith.addi %mul3A_557, %add3A_842 : i32
        %swap3A_844 = arith.index_cast %add3A_843 : i32 to index
        %swap3A_845 = tpu.vector_load %arg17[%swap3A_844] {strides = array<i32>} : memref<81920xf32, #tpu.memory_space<vmem>>, vector<16xf32>,
        tpu.vector_store %arg17[%swap3A_844], %broadcast_in_dim3A_53 {strides = array<i32>} : memref<81920xf32, #tpu.memory_space<vmem>>, vector<16xf32>,
        %add3A_846 = arith.constant 1152 : i32
        %add3A_847 = arith.addi %mul3A_557, %add3A_846 : i32
        %swap3A_848 = arith.index_cast %add3A_847 : i32 to index
        %swap3A_849 = tpu.vector_load %arg17[%swap3A_848] {strides = array<i32>} : memref<81920xf32, #tpu.memory_space<vmem>>, vector<16xf32>,
        tpu.vector_store %arg17[%swap3A_848], %broadcast_in_dim3A_53 {strides = array<i32>} : memref<81920xf32, #tpu.memory_space<vmem>>, vector<16xf32>,
        %add3A_850 = arith.constant 1168 : i32
        %add3A_851 = arith.addi %mul3A_557, %add3A_850 : i32
        %swap3A_852 = arith.index_cast %add3A_851 : i32 to index
        %swap3A_853 = tpu.vector_load %arg17[%swap3A_852] {strides = array<i32>} : memref<81920xf32, #tpu.memory_space<vmem>>, vector<16xf32>,
        tpu.vector_store %arg17[%swap3A_852], %broadcast_in_dim3A_53 {strides = array<i32>} : memref<81920xf32, #tpu.memory_space<vmem>>, vector<16xf32>,
        %add3A_854 = arith.constant 1184 : i32
        %add3A_855 = arith.addi %mul3A_557, %add3A_854 : i32
        %swap3A_856 = arith.index_cast %add3A_855 : i32 to index
        %swap3A_857 = tpu.vector_load %arg17[%swap3A_856] {strides = array<i32>} : memref<81920xf32, #tpu.memory_space<vmem>>, vector<16xf32>,
        tpu.vector_store %arg17[%swap3A_856], %broadcast_in_dim3A_53 {strides = array<i32>} : memref<81920xf32, #tpu.memory_space<vmem>>, vector<16xf32>,
        %add3A_858 = arith.constant 1200 : i32
        %add3A_859 = arith.addi %mul3A_557, %add3A_858 : i32
        %swap3A_860 = arith.index_cast %add3A_859 : i32 to index
        %swap3A_861 = tpu.vector_load %arg17[%swap3A_860] {strides = array<i32>} : memref<81920xf32, #tpu.memory_space<vmem>>, vector<16xf32>,
        tpu.vector_store %arg17[%swap3A_860], %broadcast_in_dim3A_53 {strides = array<i32>} : memref<81920xf32, #tpu.memory_space<vmem>>, vector<16xf32>,
        %add3A_862 = arith.constant 1216 : i32
        %add3A_863 = arith.addi %mul3A_557, %add3A_862 : i32
        %swap3A_864 = arith.index_cast %add3A_863 : i32 to index
        %swap3A_865 = tpu.vector_load %arg17[%swap3A_864] {strides = array<i32>} : memref<81920xf32, #tpu.memory_space<vmem>>, vector<16xf32>,
        tpu.vector_store %arg17[%swap3A_864], %broadcast_in_dim3A_53 {strides = array<i32>} : memref<81920xf32, #tpu.memory_space<vmem>>, vector<16xf32>,
        %add3A_866 = arith.constant 1232 : i32
        %add3A_867 = arith.addi %mul3A_557, %add3A_866 : i32
        %swap3A_868 = arith.index_cast %add3A_867 : i32 to index
        %swap3A_869 = tpu.vector_load %arg17[%swap3A_868] {strides = array<i32>} : memref<81920xf32, #tpu.memory_space<vmem>>, vector<16xf32>,
        tpu.vector_store %arg17[%swap3A_868], %broadcast_in_dim3A_53 {strides = array<i32>} : memref<81920xf32, #tpu.memory_space<vmem>>, vector<16xf32>,
        %add3A_870 = arith.constant 1248 : i32
        %add3A_871 = arith.addi %mul3A_557, %add3A_870 : i32
        %swap3A_872 = arith.index_cast %add3A_871 : i32 to index
        %swap3A_873 = tpu.vector_load %arg17[%swap3A_872] {strides = array<i32>} : memref<81920xf32, #tpu.memory_space<vmem>>, vector<16xf32>,
        tpu.vector_store %arg17[%swap3A_872], %broadcast_in_dim3A_53 {strides = array<i32>} : memref<81920xf32, #tpu.memory_space<vmem>>, vector<16xf32>,
        %add3A_874 = arith.constant 1264 : i32
        %add3A_875 = arith.addi %mul3A_557, %add3A_874 : i32
        %swap3A_876 = arith.index_cast %add3A_875 : i32 to index
        %swap3A_877 = tpu.vector_load %arg17[%swap3A_876] {strides = array<i32>} : memref<81920xf32, #tpu.memory_space<vmem>>, vector<16xf32>,
        tpu.vector_store %arg17[%swap3A_876], %broadcast_in_dim3A_53 {strides = array<i32>} : memref<81920xf32, #tpu.memory_space<vmem>>, vector<16xf32>,
        %convert_element_type3A_878 = arith.fptosi %gather3A_528 : vector<16xf32> to vector<16xi32>
        %add3A_879 = vector.broadcast %mul3A_557 : i32 to vector<16xi32>
        %add3A_880 = arith.addi %add3A_879, %convert_element_type3A_878 : vector<16xi32>
        %add3A_881 = arith.addi %mul3A_50, %add3A_880 : vector<16xi32>
        tpu.vector_store_idx %arg17[%add3A_881], %broadcast_in_dim3A_51 masked %ge3A_506 : memref<81920xf32, #tpu.memory_space<vmem>>[vector<16xi32>], vector<16xf32>, vector<16xi1>
      }
      %scan3A_80 = arith.constant 32 : i32
      %mul3A_81 = arith.constant 20000 : i32
      %mul3A_82 = arith.muli %select_n3A, %mul3A_81 : i32
      %add3A_83 = arith.addi %mul3A_82, %add3A_67 : i32
      %mul3A_84 = arith.constant 80 : i32
      %mul3A_85 = arith.muli %add3A_83, %mul3A_84 : i32
      "tpu.region"() ({
        %run_scoped3A = tpu.sem_alloc : memref<!tpu.dma_semaphore, #tpu.memory_space<semaphore_mem>>
        %dma_start3A = tpu.memref_slice %arg4[%mul3A_85] : memref<12800000xf32, #tpu.memory_space<hbm>> -> memref<81920xf32, #tpu.memory_space<hbm>>
        %dma_start3A_88 = tpu.memref_slice %arg4[%mul3A_85] : memref<12800000xf32, #tpu.memory_space<hbm>> -> memref<81920xf32, #tpu.memory_space<hbm>>
        tpu.enqueue_dma source(%arg17 : memref<81920xf32, #tpu.memory_space<vmem>>) target(%dma_start3A_88 : memref<81920xf32, #tpu.memory_space<hbm>>) target_semaphore(%run_scoped3A : memref<!tpu.dma_semaphore, #tpu.memory_space<semaphore_mem>>)
        %dma_wait3A = tpu.memref_slice %arg4[%mul3A_85] : memref<12800000xf32, #tpu.memory_space<hbm>> -> memref<81920xf32, #tpu.memory_space<hbm>>
        %dma_wait3A_89 = tpu.memref_slice %arg4[%mul3A_85] : memref<12800000xf32, #tpu.memory_space<hbm>> -> memref<81920xf32, #tpu.memory_space<hbm>>
        tpu.wait_dma2 semaphore(%run_scoped3A : memref<!tpu.dma_semaphore, #tpu.memory_space<semaphore_mem>>) src(%arg17 : memref<81920xf32, #tpu.memory_space<vmem>>) dst(%dma_wait3A_89 : memref<81920xf32, #tpu.memory_space<hbm>>)
        tpu.yield
      }) : () -> ()
      %mul3A_86 = arith.constant 4 : i32
      %mul3A_87 = arith.muli %add3A_83, %mul3A_86 : i32
      "tpu.region"() ({
        %run_scoped3A = tpu.sem_alloc : memref<!tpu.dma_semaphore, #tpu.memory_space<semaphore_mem>>
        %dma_start3A = tpu.memref_slice %arg5[%mul3A_87] : memref<640000xf32, #tpu.memory_space<hbm>> -> memref<4096xf32, #tpu.memory_space<hbm>>
        %dma_start3A_88 = tpu.memref_slice %arg5[%mul3A_87] : memref<640000xf32, #tpu.memory_space<hbm>> -> memref<4096xf32, #tpu.memory_space<hbm>>
        tpu.enqueue_dma source(%arg18 : memref<4096xf32, #tpu.memory_space<vmem>>) target(%dma_start3A_88 : memref<4096xf32, #tpu.memory_space<hbm>>) target_semaphore(%run_scoped3A : memref<!tpu.dma_semaphore, #tpu.memory_space<semaphore_mem>>)
        %dma_wait3A = tpu.memref_slice %arg5[%mul3A_87] : memref<640000xf32, #tpu.memory_space<hbm>> -> memref<4096xf32, #tpu.memory_space<hbm>>
        %dma_wait3A_89 = tpu.memref_slice %arg5[%mul3A_87] : memref<640000xf32, #tpu.memory_space<hbm>> -> memref<4096xf32, #tpu.memory_space<hbm>>
        tpu.wait_dma2 semaphore(%run_scoped3A : memref<!tpu.dma_semaphore, #tpu.memory_space<semaphore_mem>>) src(%arg18 : memref<4096xf32, #tpu.memory_space<vmem>>) dst(%dma_wait3A_89 : memref<4096xf32, #tpu.memory_space<hbm>>)
        tpu.yield
      }) : () -> ()
      "tpu.region"() ({
        %run_scoped3A = tpu.sem_alloc : memref<!tpu.dma_semaphore, #tpu.memory_space<semaphore_mem>>
        %dma_start3A = tpu.memref_slice %arg6[%add3A_83] : memref<160000xf32, #tpu.memory_space<hbm>> -> memref<1024xf32, #tpu.memory_space<hbm>>
        %dma_start3A_88 = tpu.memref_slice %arg6[%add3A_83] : memref<160000xf32, #tpu.memory_space<hbm>> -> memref<1024xf32, #tpu.memory_space<hbm>>
        tpu.enqueue_dma source(%arg19 : memref<1024xf32, #tpu.memory_space<vmem>>) target(%dma_start3A_88 : memref<1024xf32, #tpu.memory_space<hbm>>) target_semaphore(%run_scoped3A : memref<!tpu.dma_semaphore, #tpu.memory_space<semaphore_mem>>)
        %dma_wait3A = tpu.memref_slice %arg6[%add3A_83] : memref<160000xf32, #tpu.memory_space<hbm>> -> memref<1024xf32, #tpu.memory_space<hbm>>
        %dma_wait3A_89 = tpu.memref_slice %arg6[%add3A_83] : memref<160000xf32, #tpu.memory_space<hbm>> -> memref<1024xf32, #tpu.memory_space<hbm>>
        tpu.wait_dma2 semaphore(%run_scoped3A : memref<!tpu.dma_semaphore, #tpu.memory_space<semaphore_mem>>) src(%arg19 : memref<1024xf32, #tpu.memory_space<vmem>>) dst(%dma_wait3A_89 : memref<1024xf32, #tpu.memory_space<hbm>>)
        tpu.yield
      }) : () -> ()
    }
    %scan3A_61 = arith.constant 5 : i32
    return
  }
}

</mosaic_0001>

<sc_bundles>
// kernel: kernel.3.cloned.1.call-start
scs
__scs_entry_jumppad:
0x0: {  	(pc) =	sbr.rel $0x88, $3  }
0x1: {  	(tag) =	ssettag $0x0;
	lr =	simm.s32 $0x1  }
0x2: {  	[smem:$0x3F9F] =	sst lr;
	_ =	strace $0xD0000000  }
0x3: {  	_ = 	snop  }
0x4: {  	_ = 	snop  }
0x5: {  	_ = 	snop  }
0x6: {  	_ = 	snop  }
0x7: {  	_ = 	snop  }
__scs_overlays_trampoline_lowered:
0x8: {  	[smem:$0x3FAE] =	sst s0  }
0x9: {  	[smem:$0x3FAF] =	sst s1  }
0xa: {  	[smem:$0x3FB0] =	sst s2  }
0xb: {  	[smem:$0x3FB1] =	sst s3  }
0xc: {  	[smem:$0x3FB2] =	sst s4  }
0xd: {  	[smem:$0x3FB3] =	sst s5  }
0xe: {  	[smem:$0x3FB4] =	sst s6  }
0xf: {  	[smem:$0x3FB5] =	sst s7  }
0x10: {  	[smem:$0x3FB6] =	sst s8  }
0x11: {  	[smem:$0x3FB7] =	sst s9;
	s0 =	simm.s32 @!p0 $0x0  }
0x12: {  	s1 =	sld [smem:$0x3F9D];
	s0 =	simm.s32 @p0 $0x1  }
0x13: {  	[smem:$0x3FB8] =	sst s0;
	s0 =	simm.s32 @!p1 $0x0  }
0x14: {  	s2 =	sld [smem:$0x3F9C];
	s0 =	simm.s32 @p1 $0x1  }
0x15: {  	[smem:$0x3FB9] =	sst s0;
	s0 =	simm.s32 @!p2 $0x0  }
0x16: {  	s3 =	sld [smem:$0x3FDB];
	s0 =	simm.s32 @p2 $0x1  }
0x17: {  	s4 =	simm.s32 $0x1BF5;
	[smem:$0x3FBB] =	sst s0  }
0x18: {  	s0 =	sld [smem:$0x3F9E];
	_ =	swait.ge [sflag:s4], $0x0  }
0x19: {  	s7 =	sld [smem:$0x3F9F]  }
0x1a: {  	s8 =	sadd.s32 $0xFFFFE003, lr  }
0x1b: {  	s9 =	sadd.s32 $0xFFFFFEF7, lr;
	s5 =	simm.s32 $0xFFFFFFFF;
	p2 =	slt.u32 s8, $0xFFFFF086  }
0x1c: {  	p1 =	slt.u32 s9, $0xF7A;
	s5 =	simm.s32 @!p2 $0x0  }
0x1d: {  	s5 =	simm.s32 @p1 $0x1;
	p0 =	seq.s32 s7, s2  }
0x1e: {  	s7 =	smul.u32 @!p0 $0xF7A, s2;
	p2 =	seq.s32 @!p0 s5, $0x0  }
0x1f: {  	s9 =	smul.u32 $0xF7A, s1;
	s8 =	simm.s32 @!p0 $0x1BF5;
	p2 =	por !p2, p0  }
0x20: {  	[sflag:s8] =	ssyncset.s32 @!p0 $0xFFFFF086;
	s6 =	sadd.s32 @!p0 s3, s7;
	s7 =	simm.s32 @!p0 $0x108  }
0x21: {  	s3 =	sadd.s32 s3, s9;
	s6 =	sadd.s32 @!p0 $0x88, s6;
	s7 =	simm.s32 @p2 $0x1082  }
0x22: {  	[simem:s7], [sflag:s8] =	dma.local @!p0 [hbm:s6], $0xF7A  }
0x23: {  	s9 =	sor.u32 $0xD0000000, s2;
	s6 =	simm.s32 $0x108;
	_ =	swait.ge @!p0 [sflag:s8], $0x0  }
0x24: {  	s3 =	sadd.s32 $0x88, s3;
	s6 =	simm.s32 @!p1 $0x1082;
	[sflag:s4] =	ssyncset.s32 $0xFFFFF086  }
0x25: {  	[simem:s6], [sflag:s4] =	dma.local [hbm:s3], $0xF7A  }
0x26: {  	[smem:$0x3F9F] =	sst s1;
	(tag) =	ssettag s2;
	_ =	strace s9  }
0x27: {  	s1 =	sld [smem:$0x3FAF]  }
0x28: {  	s2 =	sld [smem:$0x3FB0]  }
0x29: {  	s4 =	sld [smem:$0x3FB2]  }
0x2a: {  	p0 =	seq.s32 s5, $0x0;
	s5 =	sld [smem:$0x3FB3]  }
0x2b: {  	s6 =	sld [smem:$0x3FB4]  }
0x2c: {  	s7 =	sld [smem:$0x3FB5]  }
0x2d: {  	s3 =	simm.s32 $0x108;
	s8 =	sld [smem:$0x3FB6]  }
0x2e: {  	s3 =	simm.s32 @!p0 $0x1082;
	s9 =	sld [smem:$0x3FB7]  }
0x2f: {  	lr =	sadd.s32 s0, s3;
	s0 =	sld [smem:$0x3FAE]  }
0x30: {  	s3 =	sld [smem:$0x3FB1]  }
0x31: {  	[smem:$0x3FBA] =	sst s10  }
0x32: {  	s10 =	sld [smem:$0x3FB8];
	_ =	sdelay $0x3  }
0x33: {  	p0 =	seq.s32 s10, $0x1;
	s10 =	sld [smem:$0x3FBA];
	_ =	sdelay $0x3  }
0x34: {  	[smem:$0x3FBA] =	sst s10  }
0x35: {  	s10 =	sld [smem:$0x3FB9];
	_ =	sdelay $0x3  }
0x36: {  	p1 =	seq.s32 s10, $0x1;
	s10 =	sld [smem:$0x3FBA];
	_ =	sdelay $0x3  }
0x37: {  	[smem:$0x3FBA] =	sst s10  }
0x38: {  	s10 =	sld [smem:$0x3FBB]  }
0x39: {  	_ = 	snop;
	(pc) =	sbr.ind lr, $3  }
0x3a: {  	_ = 	snop  }
0x3b: {  	_ = 	snop  }
0x3c: {  	p2 =	seq.s32 s10, $0x1;
	s10 =	sld [smem:$0x3FBA]  }
0x3d: {  	_ =	shalt  }
0x3e: {  	_ =	shalt  }
0x3f: {  	_ =	shalt  }
0x40: {  	_ =	shalt  }
0x41: {  	_ =	shalt  }
0x42: {  	_ =	shalt  }
0x43: {  	_ =	shalt  }
0x44: {  	_ =	shalt  }
0x45: {  	_ =	shalt  }
0x46: {  	_ =	shalt  }
0x47: {  	_ =	shalt  }
0x48: {  	_ =	shalt  }
0x49: {  	_ =	shalt  }
0x4a: {  	_ =	shalt  }
0x4b: {  	_ =	shalt  }
0x4c: {  	_ =	shalt  }
0x4d: {  	_ =	shalt  }
0x4e: {  	_ =	shalt  }
0x4f: {  	_ =	shalt  }
0x50: {  	_ =	shalt  }
0x51: {  	_ =	shalt  }
0x52: {  	_ =	shalt  }
0x53: {  	_ =	shalt  }
0x54: {  	_ =	shalt  }
0x55: {  	_ =	shalt  }
0x56: {  	_ =	shalt  }
0x57: {  	_ =	shalt  }
0x58: {  	_ =	shalt  }
0x59: {  	_ =	shalt  }
0x5a: {  	_ =	shalt  }
0x5b: {  	_ =	shalt  }
0x5c: {  	_ =	shalt  }
0x5d: {  	_ =	shalt  }
0x5e: {  	_ =	shalt  }
0x5f: {  	_ =	shalt  }
0x60: {  	_ =	shalt  }
0x61: {  	_ =	shalt  }
0x62: {  	_ =	shalt  }
0x63: {  	_ =	shalt  }
0x64: {  	_ =	shalt  }
0x65: {  	_ =	shalt  }
0x66: {  	_ =	shalt  }
0x67: {  	_ =	shalt  }
0x68: {  	_ =	shalt  }
0x69: {  	_ =	shalt  }
0x6a: {  	_ =	shalt  }
0x6b: {  	_ =	shalt  }
0x6c: {  	_ =	shalt  }
0x6d: {  	_ =	shalt  }
0x6e: {  	_ =	shalt  }
0x6f: {  	_ =	shalt  }
0x70: {  	_ =	shalt  }
0x71: {  	_ =	shalt  }
0x72: {  	_ =	shalt  }
0x73: {  	_ =	shalt  }
0x74: {  	_ =	shalt  }
0x75: {  	_ =	shalt  }
0x76: {  	_ =	shalt  }
0x77: {  	_ =	shalt  }
0x78: {  	_ =	shalt  }
0x79: {  	_ =	shalt  }
0x7a: {  	_ =	shalt  }
0x7b: {  	_ =	shalt  }
0x7c: {  	_ =	shalt  }
0x7d: {  	_ =	shalt  }
0x7e: {  	_ =	shalt  }
0x7f: {  	_ =	shalt  }
0x80: {  	_ =	shalt  }
0x81: {  	_ =	shalt  }
0x82: {  	_ =	shalt  }
0x83: {  	_ =	shalt  }
0x84: {  	_ =	shalt  }
0x85: {  	_ =	shalt  }
0x86: {  	_ =	shalt  }
0x87: {  	_ =	shalt  }
.Lfunc_end0:
.L_simem_size_0:
called_computation.1_lowered:
.L_overlay_start_0:
0x88: {  	s2 =	sld [smem:$0x3FD9]  }
0x89: {  	s3 =	sld [smem:$0x3FFE];
	_ =	sdelay $0x1  }
0x8a: {  	s1 =	srdreg.scid  }
0x8b: {  	s0 =	sand.u32 $0x1, s1  }
0x8c: {  	s14 =	sshll.u32 s0, $0xA;
	s2 =	sadd.s32 s3, s2  }
0x8d: {  	s2 =	sadd.s32 s2, s14  }
0x8e: {  	[smem:$0x3FC6] =	sst s2  }
0x8f: {  	_ = 	snop  }
0x90: {  	s2 =	sld [smem:$0x3FD0];
	_ =	sdelay $0x2  }
0x91: {  	s15 =	simm.s32 $0xA;
	s4 =	simm.s32 $0x10  }
0x92: {  	[smem:s4], [sflag:s15] =	dma.local [hbm:s2], $0x1  }
0x93: {  	_ =	swait.eq [sflag:s15], $0x1  }
0x94: {  	s16 =	sld [smem:$0x10];
	[sflag:s15] =	ssyncset.done $0x0  }
0x95: {  	s17 =	sld [smem:$0x11];
	[sflag:s15] =	ssyncadd.s32 $0xFFFFFFFF  }
0x96: {  	s18 =	sld [smem:$0x12];
	(tm) =	ssettm $0x1  }
0x97: {  	s5 =	sld [smem:$0x3FFB];
	_ =	sdelay $0x3  }
0x98: {  	_ =	strace s5  }
0x99: {  	s5 =	sld [smem:$0x3FFC];
	_ =	sdelay $0x3  }
0x9a: {  	_ =	strace s5  }
0x9b: {  	s5 =	sld [smem:$0x3FFD];
	_ =	sdelay $0x3  }
0x9c: {  	_ =	strace s5  }
0x9d: {  	_ =	strace $0x8FFFFFFF  }
0x9e: {  	s19 =	sld [smem:$0x3FDB];
	_ =	sdelay $0x1  }
0x9f: {  	s6 =	simm.s32 $_scs_section_size  }
0xa0: {  	s7 =	simm.s32 $_size__tile_overlayer_lowered;
	s8 =	simm.s32 $_tile_overlayer_lowered  }
0xa1: {  	s22 =	simm.s32 $0x1BFF;
	s21 =	sshll.u32 s8, $0x1;
	s5 =	sadd.s32 s6, s19  }
0xa2: {  	s9 =	simm.s32 $0x0;
	s20 =	sshll.u32 s7, $0x1;
	s7 =	sadd.s32 s21, s5  }
0xa3: {  	[timem:s9], [sflag:s22] =	dma.local [hbm:s7], s20  }
0xa4: {  	_ =	swait.ge [sflag:s22], s20  }
0xa5: {  	s6 =	ssub.s32 $0x0, s20;
	[sflag:s22] =	ssyncset.done $0x0  }
0xa6: {  	[sflag:s22] =	ssyncadd.s32 s6;
	_ =	sdelay $0x1  }
0xa7: {  	s23 =	simm.s32 $0x1B8B  }
0xa8: {  	_ =	swait.ge [sflag:s23], $0x1  }
0xa9: {  	[sflag:s23] =	ssyncset.done $0x0  }
0xaa: {  	s25 =	simm.s32 $0x1B8E;
	s24 =	sld [smem:$0x3FFE];
	[sflag:s23] =	ssyncadd.s32 $0xFFFFFFFF  }
0xab: {  	s26 =	simm.s32 $execute0_lowered;
	[smem:$0x3FD2] =	sst s25  }
0xac: {  	s7 =	sshll.u32 s26, $0x1;
	_ =	strace $0x80000046;
	[dreg:$0x1] =	wrdreg $0xFFFFFFFF  }
0xad: {  	s28 =	simm.s32 $_size_execute0_lowered;
	s5 =	sadd.s32 s5, s7;
	[dreg:$0x0] =	wrdreg $0x0  }
0xae: {  	s7 =	sshll.u32 s28, $0x1;
	[dreg:$0x2] =	wrdreg s5  }
0xaf: {  	[dreg:$0x3] =	wrdreg s7  }
0xb0: {  	[dreg:$0x4] =	wrdreg $0xC0  }
0xb1: {  	_ =	task [dreg:s9], $0x5FFFF  }
0xb2: {  	[dreg:$0x1] =	wrdreg $0xFFFFFFFF  }
0xb3: {  	[dreg:$0x0] =	wrdreg $0x60  }
0xb4: {  	[dreg:$0x2] =	wrdreg s24  }
0xb5: {  	[dreg:$0x3] =	wrdreg s16  }
0xb6: {  	[dreg:$0x4] =	wrdreg s17  }
0xb7: {  	[dreg:$0x5] =	wrdreg s18  }
0xb8: {  	[dreg:$0x6] =	wrdreg $0x9  }
0xb9: {  	_ =	task.clear_ibuf [dreg:s9], $0x7FFFF;
	_ =	strace $0x90000046  }
0xba: {  	s29 =	simm.s32 $0x9;
	_ =	strace $0x80000048  }
0xbb: {  	_ =	swait.ge [sflag:s29], $0x1  }
0xbc: {  	[sflag:s29] =	ssyncadd.s32 $0xFFFFFFFF  }
0xbd: {  	_ =	strace $0x90000048  }
0xbe: {  	_ =	sfence  }
0xbf: {  	s30 =	sld [smem:$0x0];
	_ =	sdelay $0x2  }
0xc0: {  	s31 =	sshll.u32 s1, $0xD;
	s1 =	sshrl.u32 s1, $0x2  }
0xc1: {  	s3 =	sand.u32 $0x4000, s31;
	s1 =	sadd.s32 s1, s30  }
0xc2: {  	s0 =	sor.u32 s3, s0;
	s1 =	sshll.u32 s1, $0x11  }
0xc3: {  	s0 =	sor.u32 s1, s0  }
0xc4: {  	s0 =	sadd.s32 $0x8F2B, s0  }
0xc5: {  	[sflag:s0] =	ssyncadd.remote.s32 $0x1  }
0xc6: {  	_ =	sfence.sel $0xFFFF  }
0xc7: {  	[dreg:$0x0] =	wrdreg $0xFFFFFFFF;
	(pc) =	sbr.abs _section_cstart, $3  }
0xc8: {  	[dreg:$0x1] =	wrdreg $0xFFFFFFFF  }
0xc9: {  	_ =	task.clear_ibuf [dreg:s9], $0x2FFFF;
	_ =	strace $0x9FFFFFFF  }
0xca: {  	(tm) =	ssettm $0x7FFFFFFF  }
0xcb: {  	_ =	shalt  }
tec
execute0_lowered:
.L_overlay_start_1:
0x0: {  	(tag) =	ssettag $0x1  }
0x1: {  	s0 =	rddreg [dreg:$0x0]  }
0x2: {  	s2 =	rddreg [dreg:$0x1]  }
0x3: {  	s3 =	rddreg [dreg:$0x2]  }
0x4: {  	s4 =	rddreg [dreg:$0x3];
	s11 =	stileid.u32;
	s5 =	simm.s32 $0x0  }
0x5: {  	s7 =	srdreg.scid;
	s16 =	simm.s32 $0x1;
	s17 =	simm.s32 $0x80  }
0x6: {  	s18 =	simm.s32 $0x100;
	s19 =	simm.s32 $0x180;
	s20 =	simm.s32 $0x200  }
0x7: {  	s21 =	simm.s32 $0x280;
	s28 =	simm.s32 $0x1300;
	s29 =	simm.s32 $0x16300  }
0x8: {  	s30 =	simm.s32 $0x0;
	s1 =	sshrl.u32 s11, $0x1;
	[smem:$0x7FF] =	sst s5  }
0x9: {  	s7 =	sand.u32 $0x1, s7;
	s11 =	sshll.u32 s11, $0x1;
	s6 =	smul.u32 $0x2A0, s1  }
0xa: {  	_ =	strace $0x80000047;
	s8 =	ssub.s32 $0x2, s7;
	s23 =	sand.u32 $0x2, s11  }
0xb: {  	s14 =	smul.u32 $0x4E20, s1;
	s10 =	sshrl.u32 s8, $0x1;
	s6 =	sshrl.u32 s6, $0x3  }
0xc: {  	s7 =	sor.u32 s7, s23;
	s23 =	simm.s32 $0x700;
	s9 =	sadd.s32 s6, s0  }
0xd: {  	s22 =	ssub.s32 s8, s10;
	s11 =	smul.u32 $0x1360, s7;
	s24 =	sadd.s32 $0x1200, s9  }
0xe: {  	v7 =	vlaneseq.u32;
	s6 =	sadd.s32 $0x1600, s0;
	s25 =	sadd.s32 $0x120E, s9;
	[dreg:$0x5] =	wrdreg s24  }
0xf: {  	v1 =	vimm.f32 $-1.000000000e+00;
	v0 =	vmul.u32 $0x4, v7;
	s15 =	smax.u32 s22, $0x1;
	s26 =	sadd.s32 $0x121C, s9;
	[dreg:$0x6] =	wrdreg s25  }
0x10: {  	v2 =	vimm.f32 $0.0e+00;
	v3 =	vimm.f32 $1.000000000e+00;
	v7 =	vmul.u32 $0x50, v7;
	s22 =	simm.s32 $0x300;
	s31 =	sadd.s32 $0x122A, s9;
	[dreg:$0x7] =	wrdreg s26  }
0x11: {  	v4 =	vor.u32 $0x1, v0;
	v5 =	vor.u32 $0x2, v0;
	v6 =	vor.u32 $0x3, v0;
	s12 =	sadd.s32 $0x1238, s9;
	s13 =	sadd.s32 $0x1246, s9;
	[dreg:$0x8] =	wrdreg s31  }
0x12: {  	v8 =	vor.u32 $0x41, v0;
	v9 =	vor.u32 $0x42, v0;
	v10 =	vor.u32 $0x43, v0;
	s24 =	simm.s32 $0xB00;
	s25 =	simm.s32 $0xF00;
	s26 =	simm.s32 $0x15300  }
.LBB2_1:
0x13: {  	s0 =	rddreg [dreg:$0x5]  }
0x14: {  	[tilespmem:s5], [sflag:$0x1] =	stream.linear.gather [hbm4b:s0+s5], $0x70, $0x38;
	[tilespmem:$0x16700] =	vst v63  }
0x15: {  	_ =	swait.ge [sflag:s16], $0x70  }
0x16: {  	[sflag:s16] =	ssyncset.done $0x0  }
0x17: {  	s8 =	rddreg [dreg:$0x6];
	[sflag:s16] =	ssyncadd.s32 $0xFFFFFF90  }
0x18: {  	[tilespmem:s17], [sflag:$0x1] =	stream.linear.gather [hbm4b:s8+s5], $0x70, $0x38;
	[tilespmem:$0x16700] =	vst v63  }
0x19: {  	_ =	swait.ge [sflag:s16], $0x70  }
0x1a: {  	[sflag:s16] =	ssyncset.done $0x0  }
0x1b: {  	s9 =	rddreg [dreg:$0x7];
	[sflag:s16] =	ssyncadd.s32 $0xFFFFFF90  }
0x1c: {  	[tilespmem:s18], [sflag:$0x1] =	stream.linear.gather [hbm4b:s9+s5], $0x70, $0x38;
	[tilespmem:$0x16700] =	vst v63  }
0x1d: {  	_ =	swait.ge [sflag:s16], $0x70  }
0x1e: {  	[sflag:s16] =	ssyncset.done $0x0  }
0x1f: {  	s10 =	rddreg [dreg:$0x8];
	[sflag:s16] =	ssyncadd.s32 $0xFFFFFF90  }
0x20: {  	[tilespmem:s19], [sflag:$0x1] =	stream.linear.gather [hbm4b:s10+s5], $0x70, $0x38;
	[tilespmem:$0x16700] =	vst v63  }
0x21: {  	_ =	swait.ge [sflag:s16], $0x70  }
0x22: {  	[sflag:s16] =	ssyncset.done $0x0  }
0x23: {  	[sflag:s16] =	ssyncadd.s32 $0xFFFFFF90  }
0x24: {  	[tilespmem:s20], [sflag:$0x1] =	stream.linear.gather [hbm4b:s12+s5], $0x70, $0x38;
	[tilespmem:$0x16700] =	vst v63  }
0x25: {  	_ =	swait.ge [sflag:s16], $0x70  }
0x26: {  	[sflag:s16] =	ssyncset.done $0x0  }
0x27: {  	[sflag:s16] =	ssyncadd.s32 $0xFFFFFF90  }
0x28: {  	[tilespmem:s21], [sflag:$0x1] =	stream.linear.gather [hbm4b:s13+s5], $0x70, $0x38;
	[tilespmem:$0x16700] =	vst v63  }
0x29: {  	_ =	swait.ge [sflag:s16], $0x70  }
0x2a: {  	[sflag:s16] =	ssyncset.done $0x0  }
0x2b: {  	s31 =	simm.s32 $0x0;
	[sflag:s16] =	ssyncadd.s32 $0xFFFFFF90  }
.LBB2_2:
0x2c: {  	s0 =	sshll.u32 s31, $0xA  }
0x2d: {  	s0 =	sadd.s32 s11, s0  }
0x2e: {  	s1 =	sshrl.u32 s0, $0x3  }
0x2f: {  	s7 =	sadd.s32 s6, s1;
	s1 =	simm.s32 $0x0  }
0x30: {  	[tilespmem:s22], [sflag:$0x1] =	stream.linear.gather [hbm4b:s7+s1], $0x400, $0x38;
	[tilespmem:$0x16700] =	vst v63  }
0x31: {  	_ =	swait.ge [sflag:s16], $0x400  }
0x32: {  	[sflag:s16] =	ssyncset.done $0x0  }
0x33: {  	s8 =	sadd.s32 $0x9C4, s7;
	[sflag:s16] =	ssyncadd.s32 $0xFFFFFC00  }
0x34: {  	[tilespmem:s23], [sflag:$0x1] =	stream.linear.gather [hbm4b:s8+s1], $0x400, $0x38;
	[tilespmem:$0x16700] =	vst v63  }
0x35: {  	_ =	swait.ge [sflag:s16], $0x400  }
0x36: {  	[sflag:s16] =	ssyncset.done $0x0  }
0x37: {  	s10 =	sadd.s32 $0x1388, s7;
	[sflag:s16] =	ssyncadd.s32 $0xFFFFFC00  }
0x38: {  	[tilespmem:s24], [sflag:$0x1] =	stream.linear.gather [hbm4b:s10+s1], $0x400, $0x38;
	[tilespmem:$0x16700] =	vst v63  }
0x39: {  	_ =	swait.ge [sflag:s16], $0x400  }
0x3a: {  	[sflag:s16] =	ssyncset.done $0x0  }
0x3b: {  	s7 =	sadd.s32 $0x1D4C, s7;
	[sflag:s16] =	ssyncadd.s32 $0xFFFFFC00  }
0x3c: {  	[tilespmem:s25], [sflag:$0x1] =	stream.linear.gather [hbm4b:s7+s1], $0x400, $0x38;
	[tilespmem:$0x16700] =	vst v63  }
0x3d: {  	_ =	swait.ge [sflag:s16], $0x400  }
0x3e: {  	[sflag:s16] =	ssyncset.done $0x0  }
0x3f: {  	[sflag:s16] =	ssyncadd.s32 $0xFFFFFC00  }
.LBB2_3:
0x40: {  	s9 =	sshll.u32 s1, $0x5  }
0x41: {  	v32 =	vld [tilespmem:s9+$0x300]  }
0x42: {  	v31 =	vld [tilespmem:s9+$0x700]  }
0x43: {  	s7 =	sshllo.u32 s1, $0x1;
	v30 =	vld [tilespmem:s9+$0xB00]  }
0x44: {  	v17 =	vimm.s32 $0x0;
	s8 =	sshll.u32 s7, $0x4;
	v29 =	vld [tilespmem:s9+$0xF00]  }
0x45: {  	v14 =	vld [tilespmem:s8+$0x300]  }
0x46: {  	v13 =	vld [tilespmem:s8+$0x700]  }
0x47: {  	v12 =	vld [tilespmem:s8+$0xB00]  }
0x48: {  	v11 =	vld [tilespmem:s8+$0xF00]  }
0x49: {  	v21 =	vld.idx.msk [tilespmem:v17+s5+$0x0], $0xffff  }
0x4a: {  	v22 =	vld.idx.msk [tilespmem:v17+s17+$0x0], $0xffff  }
0x4b: {  	v23 =	vld.idx.msk [tilespmem:v17+s18+$0x0], $0xffff  }
0x4c: {  	v24 =	vld.idx.msk [tilespmem:v17+s19+$0x0], $0xffff  }
0x4d: {  	v35 =	vsub.f32 v30, v32;
	v34 =	vsub.f32 v29, v31  }
0x4e: {  	v20 =	vadd.s32 $0x1, v17;
	v26 =	vld.idx.msk [tilespmem:v17+s20+$0x0], $0xffff;
	v16 =	vsub.f32 v12, v14;
	v15 =	vsub.f32 v11, v13  }
0x4f: {  	v36 =	vmul.f32 v34, v35  }
0x50: {  	v19 =	vmul.f32 v15, v16;
	v25 =	vmin.f32 v30, v23;
	v27 =	vmax.f32 v32, v21  }
0x51: {  	v28 =	vmin.f32 v29, v24;
	v33 =	vmax.f32 v31, v22;
	v23 =	vmin.f32 v12, v23  }
0x52: {  	v37 =	vmax.f32 v14, v21;
	v25 =	vsub.f32 v25, v27;
	v27 =	vsub.f32 v28, v33  }
0x53: {  	v24 =	vmin.f32 v11, v24;
	v22 =	vmax.f32 v13, v22;
	v40 =	vadd.f32 v26, v36;
	v28 =	vld.idx.msk [tilespmem:v20+s17+$0x0], $0xffff  }
0x54: {  	v22 =	vsub.f32 v24, v22;
	v24 =	vmax.f32 v25, $0.0e+00;
	v25 =	vmax.f32 v27, $0.0e+00;
	v27 =	vld.idx.msk [tilespmem:v20+s5+$0x0], $0xffff  }
0x55: {  	v23 =	vsub.f32 v23, v37;
	v41 =	vmul.f32 v25, v24;
	v24 =	vadd.f32 v26, v19;
	v26 =	vld.idx.msk [tilespmem:v20+s18+$0x0], $0xffff  }
0x56: {  	v18 =	vimm.f32 $0.0e+00;
	v38 =	vimm.f32 $1.000000000e+00;
	v39 =	vimm.f32 $0.0e+00;
	v25 =	vld.idx.msk [tilespmem:v20+s19+$0x0], $0xffff  }
0x57: {  	v21 =	vimm.f32 $1.000000000e+00;
	v23 =	vmax.f32 v23, $0.0e+00;
	v22 =	vmax.f32 v22, $0.0e+00  }
0x58: {  	v33 =	vadd.s32 $0x1, v20;
	v37 =	vimm.s32 $0x0;
	v23 =	vmul.f32 v22, v23  }
0x59: {  	s10 =	simm.s32 $0x62;
	v43 =	vmul.f32 v40, v18;
	v22 =	vimm.s32 $0x0;
	v42 =	vmul.f32 v41, v21  }
.LBB2_4:
0x5a: {  	p0 =	sne.s32 s10, $0x1;
	v44 =	vmin.f32 v30, v26;
	v45 =	vmul.f32 v23, v21;
	v46 =	vmul.f32 v24, v18;
	v47 =	vmovc v17  }
0x5b: {  	v49 =	vmax.f32 v32, v27;
	v50 =	vmin.f32 v29, v25;
	v51 =	vmax.f32 v31, v28;
	v48 =	vld.idx.msk [tilespmem:v20+s20+$0x0], $0xffff  }
0x5c: {  	v52 =	vmin.f32 v12, v26;
	v17 =	vmovc v20;
	vm1 =	vgt.f32 v42, v43;
	vm0 =	vgt.f32 v45, v46  }
0x5d: {  	v38 =	vsel vm1, v40, v38;
	v42 =	vld.idx.msk [tilespmem:v33+s5+$0x0], $0xffff;
	v18 =	vsel vm0, v23, v18;
	v21 =	vsel vm0, v24, v21  }
0x5e: {  	v20 =	vmax.f32 v14, v27;
	v39 =	vsel vm1, v41, v39;
	v23 =	vmin.f32 v11, v25;
	v45 =	vld.idx.msk [tilespmem:v33+s17+$0x0], $0xffff  }
0x5f: {  	v28 =	vmax.f32 v13, v28;
	v27 =	vsub.f32 v50, v51;
	v24 =	vsub.f32 v44, v49;
	v26 =	vld.idx.msk [tilespmem:v33+s18+$0x0], $0xffff  }
.Ltmp0:
0x60: {  	v41 =	vsub.f32 v52, v20;
	v37 =	vsel vm1, v47, v37;
	v23 =	vsub.f32 v23, v28;
	v25 =	vld.idx.msk [tilespmem:v33+s19+$0x0], $0xffff;
	(pc) =	sbr.rel @p0 .LBB2_4-.Ltmp0, $4  }
0x61: {  	v43 =	vmax.f32 v27, $0.0e+00;
	v20 =	vmovc v33;
	v24 =	vmax.f32 v24, $0.0e+00;
	v40 =	vadd.f32 v48, v36  }
0x62: {  	v44 =	vmax.f32 v41, $0.0e+00;
	v23 =	vmax.f32 v23, $0.0e+00;
	v41 =	vmul.f32 v43, v24  }
0x63: {  	v33 =	vadd.s32 $0x1, v33;
	v24 =	vadd.f32 v48, v19;
	v23 =	vmul.f32 v23, v44;
	v27 =	vmovc v42  }
0x64: {  	s10 =	sadd.s32 $0xFFFFFFFF, s10;
	v22 =	vsel vm0, v47, v22;
	v42 =	vmul.f32 v41, v38;
	v43 =	vmul.f32 v40, v39;
	v28 =	vmovc v45  }
0x65: {  	_ =	sdelay $0x3  }
0x66: {  	v44 =	vmin.f32 v30, v26;
	v33 =	vld.idx.msk [tilespmem:v20+s20+$0x0], $0xffff  }
0x67: {  	v45 =	vmax.f32 v32, v27;
	v46 =	vmin.f32 v29, v25;
	v47 =	vmax.f32 v31, v28  }
0x68: {  	v44 =	vsub.f32 v44, v45;
	v63 =	vsub.f32 v46, v47;
	_ =	sdelay $0x1  }
0x69: {  	v44 =	vmax.f32 v44, $0.0e+00;
	v45 =	vmax.f32 v63, $0.0e+00  }
0x6a: {  	vm0 =	vgt.f32 v42, v43;
	v47 =	vmul.f32 v45, v44;
	v36 =	vadd.f32 v33, v36  }
0x6b: {  	v38 =	vsel vm0, v40, v38;
	v39 =	vsel vm0, v41, v39  }
0x6c: {  	v40 =	vmul.f32 v47, v38;
	v41 =	vmul.f32 v36, v39;
	_ =	sdelay $0x1  }
0x6d: {  	vm1 =	vgt.f32 v40, v41  }
0x6e: {  	v36 =	vsel vm1, v36, v38;
	v48 =	vsel vm1, v47, v39  }
0x6f: {  	v36 =	vsub.f32 v36, v48;
	_ =	sdelay $0x1  }
0x70: {  	v49 =	vmul.f32 $4.000000060e-01, v36  }
0x71: {  	v36 =	vmul.f32 $5.000000000e-01, v36  }
0x72: {  	(erf) = vrcp.f32 v35;
	v37 =	vsel vm0, v17, v37;
	vm11 =	vgt.f32 v48, v49  }
0x73: {  	v37 =	vsel vm1, v20, v37;
	vm12 =	vge.f32 v48, v36;
	vm1 =	vmneg vm11  }
0x74: {  	(erf) = vrcp.f32 v34;
	vm1 =	vmor vm1, vm12  }
0x75: {  	v50 =	vsel vm1, $0x0, v1  }
0x76: {  	v34 =	vsel vm12, $0x3F800000, v50  }
0x77: {  	[tilespmem:s9+$0x16300] =	vst v34  }
0x78: {  	v34 =	vld.idx.msk [tilespmem:v37+s5+$0x0], $0xffff  }
0x79: {  	v51 =	vld.idx.msk [tilespmem:v37+s17+$0x0], $0xffff  }
0x7a: {  	v52 =	vld.idx.msk [tilespmem:v37+s18+$0x0], $0xffff  }
0x7b: {  	s10 =	sshll.u32 s1, $0x7;
	v53 =	vld.idx.msk [tilespmem:v37+s19+$0x0], $0xffff  }
0x7c: {  	v55 =	vor.u32 s10, v0;
	v54 =	vpop (erf)  }
0x7d: {  	v58 =	vor.u32 s10, v4;
	v39 =	vmul.f32 $5.000000000e+00, v54;
	v56 =	vpop (erf);
	v57 =	vsub.f32 v34, v32  }
0x7e: {  	v60 =	vor.u32 s10, v5;
	v41 =	vmul.f32 $5.000000000e+00, v56;
	v59 =	vsub.f32 v51, v31  }
0x7f: {  	v62 =	vor.u32 s10, v6;
	v61 =	vsub.f32 v52, v30;
	v32 =	vmul.f32 v57, v39  }
0x80: {  	v63 =	vsub.f32 v53, v29;
	v31 =	vmul.f32 v59, v41  }
0x81: {  	v37 =	vld.idx.msk [tilespmem:v37+s21+$0x0], $0xffff;
	v30 =	vmul.f32 v61, v39;
	[tilespmem:v55+s26+$0x0] =	vst.idx.msk $0xffff, v32  }
0x82: {  	v29 =	vmul.f32 v63, v41;
	[tilespmem:v58+s26+$0x0] =	vst.idx.msk $0xffff, v31  }
0x83: {  	s10 =	smul.u32 $0xA00, s1;
	[tilespmem:v60+s26+$0x0] =	vst.idx.msk $0xffff, v30  }
0x84: {  	[tilespmem:v62+s26+$0x0] =	vst.idx.msk $0xffff, v29  }
0x85: {  	[tilespmem:s10+$0x1300] =	vst v2  }
0x86: {  	[tilespmem:s10+$0x1310] =	vst v2  }
0x87: {  	[tilespmem:s10+$0x1320] =	vst v2  }
0x88: {  	[tilespmem:s10+$0x1330] =	vst v2  }
0x89: {  	[tilespmem:s10+$0x1340] =	vst v2  }
0x8a: {  	[tilespmem:s10+$0x1350] =	vst v2  }
0x8b: {  	[tilespmem:s10+$0x1360] =	vst v2  }
0x8c: {  	[tilespmem:s10+$0x1370] =	vst v2  }
0x8d: {  	[tilespmem:s10+$0x1380] =	vst v2  }
0x8e: {  	[tilespmem:s10+$0x1390] =	vst v2  }
0x8f: {  	[tilespmem:s10+$0x13A0] =	vst v2  }
0x90: {  	[tilespmem:s10+$0x13B0] =	vst v2  }
0x91: {  	[tilespmem:s10+$0x13C0] =	vst v2  }
0x92: {  	[tilespmem:s10+$0x13D0] =	vst v2  }
0x93: {  	[tilespmem:s10+$0x13E0] =	vst v2  }
0x94: {  	[tilespmem:s10+$0x13F0] =	vst v2  }
0x95: {  	[tilespmem:s10+$0x1400] =	vst v2  }
0x96: {  	[tilespmem:s10+$0x1410] =	vst v2  }
0x97: {  	[tilespmem:s10+$0x1420] =	vst v2  }
0x98: {  	[tilespmem:s10+$0x1430] =	vst v2  }
0x99: {  	[tilespmem:s10+$0x1440] =	vst v2  }
0x9a: {  	[tilespmem:s10+$0x1450] =	vst v2  }
0x9b: {  	[tilespmem:s10+$0x1460] =	vst v2  }
0x9c: {  	[tilespmem:s10+$0x1470] =	vst v2  }
0x9d: {  	[tilespmem:s10+$0x1480] =	vst v2  }
0x9e: {  	[tilespmem:s10+$0x1490] =	vst v2  }
0x9f: {  	[tilespmem:s10+$0x14A0] =	vst v2  }
0xa0: {  	[tilespmem:s10+$0x14B0] =	vst v2  }
0xa1: {  	[tilespmem:s10+$0x14C0] =	vst v2  }
0xa2: {  	[tilespmem:s10+$0x14D0] =	vst v2  }
0xa3: {  	[tilespmem:s10+$0x14E0] =	vst v2  }
0xa4: {  	[tilespmem:s10+$0x14F0] =	vst v2  }
0xa5: {  	[tilespmem:s10+$0x1500] =	vst v2  }
0xa6: {  	[tilespmem:s10+$0x1510] =	vst v2  }
0xa7: {  	[tilespmem:s10+$0x1520] =	vst v2  }
0xa8: {  	[tilespmem:s10+$0x1530] =	vst v2  }
0xa9: {  	[tilespmem:s10+$0x1540] =	vst v2  }
0xaa: {  	[tilespmem:s10+$0x1550] =	vst v2  }
0xab: {  	[tilespmem:s10+$0x1560] =	vst v2  }
0xac: {  	[tilespmem:s10+$0x1570] =	vst v2  }
0xad: {  	[tilespmem:s10+$0x1580] =	vst v2  }
0xae: {  	[tilespmem:s10+$0x1590] =	vst v2  }
0xaf: {  	[tilespmem:s10+$0x15A0] =	vst v2  }
0xb0: {  	[tilespmem:s10+$0x15B0] =	vst v2  }
0xb1: {  	[tilespmem:s10+$0x15C0] =	vst v2  }
0xb2: {  	[tilespmem:s10+$0x15D0] =	vst v2  }
0xb3: {  	[tilespmem:s10+$0x15E0] =	vst v2  }
0xb4: {  	[tilespmem:s10+$0x15F0] =	vst v2  }
0xb5: {  	[tilespmem:s10+$0x1600] =	vst v2  }
0xb6: {  	[tilespmem:s10+$0x1610] =	vst v2  }
0xb7: {  	[tilespmem:s10+$0x1620] =	vst v2  }
0xb8: {  	[tilespmem:s10+$0x1630] =	vst v2  }
0xb9: {  	[tilespmem:s10+$0x1640] =	vst v2  }
0xba: {  	[tilespmem:s10+$0x1650] =	vst v2  }
0xbb: {  	[tilespmem:s10+$0x1660] =	vst v2  }
0xbc: {  	[tilespmem:s10+$0x1670] =	vst v2  }
0xbd: {  	[tilespmem:s10+$0x1680] =	vst v2  }
0xbe: {  	[tilespmem:s10+$0x1690] =	vst v2  }
0xbf: {  	[tilespmem:s10+$0x16A0] =	vst v2  }
0xc0: {  	[tilespmem:s10+$0x16B0] =	vst v2  }
0xc1: {  	[tilespmem:s10+$0x16C0] =	vst v2  }
0xc2: {  	v40 =	vmin.f32 v11, v25;
	[tilespmem:s10+$0x16D0] =	vst v2  }
0xc3: {  	v38 =	vmin.f32 v12, v26;
	v39 =	vmax.f32 v14, v27;
	v41 =	vmax.f32 v13, v28;
	[tilespmem:s10+$0x16E0] =	vst v2  }
0xc4: {  	v26 =	vsub.f32 v38, v39;
	v25 =	vsub.f32 v40, v41;
	[tilespmem:s10+$0x16F0] =	vst v2  }
0xc5: {  	v42 =	vmul.f32 v23, v21;
	v43 =	vmul.f32 v24, v18;
	[tilespmem:s10+$0x1700] =	vst v2  }
0xc6: {  	v26 =	vmax.f32 v26, $0.0e+00;
	v25 =	vmax.f32 v25, $0.0e+00;
	[tilespmem:s10+$0x1710] =	vst v2  }
0xc7: {  	vm13 =	vgt.f32 v42, v43;
	v19 =	vadd.f32 v33, v19;
	v25 =	vmul.f32 v25, v26;
	[tilespmem:s10+$0x1720] =	vst v2  }
0xc8: {  	v44 =	vsel vm13, v23, v18;
	v45 =	vsel vm13, v24, v21;
	[tilespmem:s10+$0x1730] =	vst v2  }
0xc9: {  	v47 =	vmul.f32 v19, v44;
	v46 =	vmul.f32 v25, v45;
	[tilespmem:s10+$0x1740] =	vst v2  }
0xca: {  	[tilespmem:s10+$0x1750] =	vst v2  }
0xcb: {  	[tilespmem:s10+$0x1760] =	vst v2;
	vm2 =	vgt.f32 v46, v47  }
0xcc: {  	v48 =	vtrunc.f32 v37;
	[tilespmem:s10+$0x1770] =	vst v2;
	v18 =	vsel vm2, v25, v44;
	v19 =	vsel vm2, v19, v45  }
0xcd: {  	v21 =	vcvt.f32.s32 v48;
	[tilespmem:s10+$0x1780] =	vst v2;
	v19 =	vsub.f32 v19, v18  }
0xce: {  	[tilespmem:s10+$0x1790] =	vst v2  }
0xcf: {  	v21 =	vadd.s32 s10, v21;
	[tilespmem:s10+$0x17A0] =	vst v2;
	v49 =	vmul.f32 $4.000000060e-01, v19  }
0xd0: {  	v21 =	vadd.s32 v7, v21;
	[tilespmem:s10+$0x17B0] =	vst v2;
	v19 =	vmul.f32 $5.000000000e-01, v19  }
0xd1: {  	(erf) = vrcp.f32 v16;
	v50 =	vsel vm13, v17, v22;
	[tilespmem:s10+$0x17C0] =	vst v2;
	vm14 =	vgt.f32 v18, v49  }
0xd2: {  	[tilespmem:s10+$0x17D0] =	vst v2;
	v17 =	vsel vm2, v20, v50;
	vm15 =	vge.f32 v18, v19;
	vm2 =	vmneg vm14  }
0xd3: {  	(erf) = vrcp.f32 v15;
	[tilespmem:s10+$0x17E0] =	vst v2;
	vm2 =	vmor vm2, vm15  }
0xd4: {  	[tilespmem:s10+$0x17F0] =	vst v2;
	v51 =	vsel vm2, $0x0, v1  }
0xd5: {  	[tilespmem:v21+s28+$0x0] =	vst.idx.msk vm12, v3;
	v15 =	vsel vm15, $0x3F800000, v51  }
0xd6: {  	[tilespmem:s8+$0x16300] =	vst v15  }
0xd7: {  	v15 =	vld.idx.msk [tilespmem:v17+s5+$0x0], $0xffff  }
0xd8: {  	v52 =	vld.idx.msk [tilespmem:v17+s17+$0x0], $0xffff  }
0xd9: {  	v53 =	vld.idx.msk [tilespmem:v17+s18+$0x0], $0xffff  }
0xda: {  	s9 =	sshll.u32 s7, $0x6;
	v54 =	vld.idx.msk [tilespmem:v17+s19+$0x0], $0xffff  }
0xdb: {  	v56 =	vor.u32 s9, v0;
	v55 =	vpop (erf)  }
0xdc: {  	v59 =	vor.u32 s9, v8;
	v57 =	vpop (erf);
	v20 =	vmul.f32 $5.000000000e+00, v55;
	v58 =	vsub.f32 v15, v14  }
0xdd: {  	v61 =	vor.u32 s9, v9;
	v22 =	vmul.f32 $5.000000000e+00, v57;
	v60 =	vsub.f32 v52, v13  }
0xde: {  	v63 =	vor.u32 s9, v10;
	v62 =	vsub.f32 v53, v12;
	v14 =	vmul.f32 v58, v20  }
0xdf: {  	v11 =	vsub.f32 v54, v11;
	v13 =	vmul.f32 v60, v22  }
0xe0: {  	v17 =	vld.idx.msk [tilespmem:v17+s21+$0x0], $0xffff;
	v12 =	vmul.f32 v62, v20;
	[tilespmem:v56+s26+$0x0] =	vst.idx.msk $0xffff, v14  }
0xe1: {  	v11 =	vmul.f32 v11, v22;
	[tilespmem:v59+s26+$0x0] =	vst.idx.msk $0xffff, v13  }
0xe2: {  	s10 =	smul.u32 $0x500, s7;
	[tilespmem:v61+s26+$0x0] =	vst.idx.msk $0xffff, v12  }
0xe3: {  	[tilespmem:v63+s26+$0x0] =	vst.idx.msk $0xffff, v11  }
0xe4: {  	[tilespmem:s10+$0x1300] =	vst v2  }
0xe5: {  	[tilespmem:s10+$0x1310] =	vst v2  }
0xe6: {  	[tilespmem:s10+$0x1320] =	vst v2  }
0xe7: {  	[tilespmem:s10+$0x1330] =	vst v2  }
0xe8: {  	[tilespmem:s10+$0x1340] =	vst v2  }
0xe9: {  	[tilespmem:s10+$0x1350] =	vst v2  }
0xea: {  	[tilespmem:s10+$0x1360] =	vst v2  }
0xeb: {  	[tilespmem:s10+$0x1370] =	vst v2  }
0xec: {  	[tilespmem:s10+$0x1380] =	vst v2  }
0xed: {  	[tilespmem:s10+$0x1390] =	vst v2  }
0xee: {  	[tilespmem:s10+$0x13A0] =	vst v2  }
0xef: {  	[tilespmem:s10+$0x13B0] =	vst v2  }
0xf0: {  	[tilespmem:s10+$0x13C0] =	vst v2  }
0xf1: {  	[tilespmem:s10+$0x13D0] =	vst v2  }
0xf2: {  	[tilespmem:s10+$0x13E0] =	vst v2  }
0xf3: {  	[tilespmem:s10+$0x13F0] =	vst v2  }
0xf4: {  	[tilespmem:s10+$0x1400] =	vst v2  }
0xf5: {  	[tilespmem:s10+$0x1410] =	vst v2  }
0xf6: {  	[tilespmem:s10+$0x1420] =	vst v2  }
0xf7: {  	[tilespmem:s10+$0x1430] =	vst v2  }
0xf8: {  	[tilespmem:s10+$0x1440] =	vst v2  }
0xf9: {  	[tilespmem:s10+$0x1450] =	vst v2  }
0xfa: {  	[tilespmem:s10+$0x1460] =	vst v2  }
0xfb: {  	[tilespmem:s10+$0x1470] =	vst v2  }
0xfc: {  	[tilespmem:s10+$0x1480] =	vst v2  }
0xfd: {  	[tilespmem:s10+$0x1490] =	vst v2  }
0xfe: {  	[tilespmem:s10+$0x14A0] =	vst v2  }
0xff: {  	[tilespmem:s10+$0x14B0] =	vst v2  }
0x100: {  	[tilespmem:s10+$0x14C0] =	vst v2  }
0x101: {  	[tilespmem:s10+$0x14D0] =	vst v2  }
0x102: {  	[tilespmem:s10+$0x14E0] =	vst v2  }
0x103: {  	[tilespmem:s10+$0x14F0] =	vst v2  }
0x104: {  	[tilespmem:s10+$0x1500] =	vst v2  }
0x105: {  	[tilespmem:s10+$0x1510] =	vst v2  }
0x106: {  	[tilespmem:s10+$0x1520] =	vst v2  }
0x107: {  	[tilespmem:s10+$0x1530] =	vst v2  }
0x108: {  	[tilespmem:s10+$0x1540] =	vst v2  }
0x109: {  	[tilespmem:s10+$0x1550] =	vst v2  }
0x10a: {  	[tilespmem:s10+$0x1560] =	vst v2  }
0x10b: {  	[tilespmem:s10+$0x1570] =	vst v2  }
0x10c: {  	[tilespmem:s10+$0x1580] =	vst v2  }
0x10d: {  	[tilespmem:s10+$0x1590] =	vst v2  }
0x10e: {  	[tilespmem:s10+$0x15A0] =	vst v2  }
0x10f: {  	[tilespmem:s10+$0x15B0] =	vst v2  }
0x110: {  	[tilespmem:s10+$0x15C0] =	vst v2  }
0x111: {  	[tilespmem:s10+$0x15D0] =	vst v2  }
0x112: {  	[tilespmem:s10+$0x15E0] =	vst v2  }
0x113: {  	[tilespmem:s10+$0x15F0] =	vst v2  }
0x114: {  	[tilespmem:s10+$0x1600] =	vst v2  }
0x115: {  	[tilespmem:s10+$0x1610] =	vst v2  }
0x116: {  	[tilespmem:s10+$0x1620] =	vst v2  }
0x117: {  	[tilespmem:s10+$0x1630] =	vst v2  }
0x118: {  	[tilespmem:s10+$0x1640] =	vst v2  }
0x119: {  	[tilespmem:s10+$0x1650] =	vst v2  }
0x11a: {  	[tilespmem:s10+$0x1660] =	vst v2  }
0x11b: {  	[tilespmem:s10+$0x1670] =	vst v2  }
0x11c: {  	[tilespmem:s10+$0x1680] =	vst v2  }
0x11d: {  	[tilespmem:s10+$0x1690] =	vst v2  }
0x11e: {  	[tilespmem:s10+$0x16A0] =	vst v2  }
0x11f: {  	[tilespmem:s10+$0x16B0] =	vst v2  }
0x120: {  	[tilespmem:s10+$0x16C0] =	vst v2  }
0x121: {  	[tilespmem:s10+$0x16D0] =	vst v2  }
0x122: {  	[tilespmem:s10+$0x16E0] =	vst v2  }
0x123: {  	[tilespmem:s10+$0x16F0] =	vst v2  }
0x124: {  	[tilespmem:s10+$0x1700] =	vst v2  }
0x125: {  	[tilespmem:s10+$0x1710] =	vst v2  }
0x126: {  	[tilespmem:s10+$0x1720] =	vst v2  }
0x127: {  	[tilespmem:s10+$0x1730] =	vst v2  }
0x128: {  	[tilespmem:s10+$0x1740] =	vst v2  }
0x129: {  	[tilespmem:s10+$0x1750] =	vst v2  }
0x12a: {  	[tilespmem:s10+$0x1760] =	vst v2  }
0x12b: {  	v11 =	vtrunc.f32 v17;
	[tilespmem:s10+$0x1770] =	vst v2  }
0x12c: {  	[tilespmem:s10+$0x1780] =	vst v2;
	v11 =	vcvt.f32.s32 v11  }
0x12d: {  	[tilespmem:s10+$0x1790] =	vst v2  }
0x12e: {  	s1 =	sadd.s32 $0x1, s1;
	[tilespmem:s10+$0x17A0] =	vst v2;
	v11 =	vadd.s32 s10, v11  }
0x12f: {  	p0 =	sne.s32 s1, $0x20;
	[tilespmem:s10+$0x17B0] =	vst v2;
	v11 =	vadd.s32 v7, v11  }
.Ltmp1:
0x130: {  	[tilespmem:s10+$0x17C0] =	vst v2;
	(pc) =	sbr.rel @p0 .LBB2_3-.Ltmp1, $4  }
0x131: {  	[tilespmem:s10+$0x17D0] =	vst v2  }
0x132: {  	[tilespmem:s10+$0x17E0] =	vst v2  }
0x133: {  	[tilespmem:s10+$0x17F0] =	vst v2  }
0x134: {  	[tilespmem:v11+s28+$0x0] =	vst.idx.msk vm15, v3  }
0x135: {  	s0 =	sadd.s32 s14, s0  }
0x136: {  	s1 =	smul.u32 $0xA, s0;
	_ =	sdelay $0x1  }
0x137: {  	s1 =	sadd.s32 s2, s1  }
0x138: {  	[hbm4b:s1+s5] =	stream.linear.scatter [tilespmem:s28], [sflag:$0x1], $0x14000, $0x38;
	[tilespmem:$0x16700] =	vst v63  }
0x139: {  	_ =	swait.ge [sflag:s16], $0x14000  }
0x13a: {  	s10 =	sshrl.u32 s0, $0x1;
	[sflag:s16] =	ssyncset.done $0x0  }
0x13b: {  	s1 =	sadd.s32 s3, s10;
	[sflag:s16] =	ssyncadd.s32 $0xFFFEC000  }
0x13c: {  	[hbm4b:s1+s5] =	stream.linear.scatter [tilespmem:s26], [sflag:$0x1], $0x1000, $0x38;
	[tilespmem:$0x16700] =	vst v63  }
0x13d: {  	s31 =	sadd.s32 $0x1, s31;
	_ =	swait.ge [sflag:s16], $0x1000  }
0x13e: {  	s0 =	sshrl.u32 s0, $0x3;
	p0 =	sne.s32 s31, $0x5;
	[sflag:s16] =	ssyncset.done $0x0  }
.Ltmp2:
0x13f: {  	s0 =	sadd.s32 s4, s0;
	[sflag:s16] =	ssyncadd.s32 $0xFFFFF000;
	(pc) =	sbr.rel @p0 .LBB2_2-.Ltmp2, $4  }
0x140: {  	[hbm4b:s0+s5] =	stream.linear.scatter [tilespmem:s29], [sflag:$0x1], $0x400, $0x38;
	[tilespmem:$0x16700] =	vst v63  }
0x141: {  	_ =	swait.ge [sflag:s16], $0x400  }
0x142: {  	[sflag:s16] =	ssyncset.done $0x0  }
0x143: {  	[sflag:s16] =	ssyncadd.s32 $0xFFFFFC00  }
0x144: {  	s30 =	sadd.s32 $0x1, s30  }
0x145: {  	p0 =	sne.s32 s30, s15  }
.Ltmp3:
0x146: {  	_ = 	snop;
	(pc) =	sbr.rel @p0 .LBB2_1-.Ltmp3, $1  }
0x147: {  	_ =	sdelay $0x3  }
0x148: {  	_ =	sfence.sel $0x180000  }
0x149: {  	[bflag:$0x0] =	sbarrier.arrive $0xFFFF  }
0x14a: {  	_ =	strace $0x90000047  }
0x14b: {  	s0 =	stileid.u32;
	[bflag:$0x2] =	sbarrier.arrive $0xFFFF  }
0x14c: {  	p0 =	sne.s32 s0, $0x0;
	s0 =	rddreg [dreg:$0x4]  }
0x14d: {  	s0 =	sadd.s32 @!p0 $0x100000, s0  }
0x14e: {  	[sflag:s0] =	ssyncadd.tile.s32 @!p0 $0x1;
	_ =	shalt  }
.Lfunc_end2:
_tile_overlayer_lowered:
.L_overlay_start_2:
0x14f: {  	(tag) =	ssettag $0x2  }
0x150: {  	s0 =	rddreg [dreg:$0x0];
	s2 =	stileid.u32  }
0x151: {  	s1 =	rddreg [dreg:$0x1];
	p0 =	sne.s32 s2, $0x0  }
0x152: {  	s3 =	rddreg [dreg:$0x2];
	[bflag:$0x3] =	sbarrier.arrive $0xFFFF;
	s2 =	simm.s32 @!p0 $0x1C01  }
0x153: {  	[timem:s3], [sflag:s2] =	dma.local @!p0 [hbm:s0], s1  }
0x154: {  	s0 =	simm.s32 @!p0 $0x1  }
0x155: {  	_ =	swait.ge @!p0 [sflag:s0], s1  }
0x156: {  	s1 =	ssub.s32 @!p0 $0x0, s1;
	[sflag:s0] =	ssyncset.done @!p0 $0x0  }
0x157: {  	[sflag:s0] =	ssyncadd.s32 @!p0 s1  }
0x158: {  	[bflag:$0x3] =	sbarrier.arrive $0xFFFF  }
0x159: {  	_ =	shalt  }

// kernel: sparse-core-data-format-call.cloned.1.call-start
scs
called_computation_lowered:
.L_overlay_start_0:
0x0: {  	s2 =	sld [smem:$0x3FD9]  }
0x1: {  	s3 =	sld [smem:$0x3FFE];
	_ =	sdelay $0x1  }
0x2: {  	s1 =	srdreg.scid  }
0x3: {  	s0 =	sand.u32 $0x1, s1  }
0x4: {  	s15 =	sshll.u32 s0, $0xA;
	s2 =	sadd.s32 s3, s2  }
0x5: {  	s2 =	sadd.s32 s2, s15  }
0x6: {  	[smem:$0x3FC6] =	sst s2  }
0x7: {  	_ = 	snop  }
0x8: {  	s2 =	sld [smem:$0x3FD0];
	_ =	sdelay $0x2  }
0x9: {  	s16 =	simm.s32 $0xA;
	s4 =	simm.s32 $0x10  }
0xa: {  	[smem:s4], [sflag:s16] =	dma.local [hbm:s2], $0x1  }
0xb: {  	_ =	swait.eq [sflag:s16], $0x1  }
0xc: {  	[sflag:s16] =	ssyncset.done $0x0  }
0xd: {  	[sflag:s16] =	ssyncadd.s32 $0xFFFFFFFF  }
0xe: {  	s17 =	sld [smem:$0x10];
	(tm) =	ssettm $0x1  }
0xf: {  	s18 =	sld [smem:$0x3FFB];
	_ =	sdelay $0x3  }
0x10: {  	_ =	strace s18  }
0x11: {  	s3 =	sld [smem:$0x3FFC];
	_ =	sdelay $0x3  }
0x12: {  	_ =	strace s3  }
0x13: {  	s3 =	sld [smem:$0x3FFD];
	_ =	sdelay $0x3  }
0x14: {  	_ =	strace s3  }
0x15: {  	_ =	strace $0x8FFFFFFF  }
0x16: {  	s19 =	sld [smem:$0x3FDB];
	_ =	sdelay $0x1  }
0x17: {  	s20 =	simm.s32 $_scs_section_size  }
0x18: {  	s5 =	simm.s32 $_size__tile_overlayer_lowered;
	s6 =	simm.s32 $_tile_overlayer_lowered  }
0x19: {  	s23 =	simm.s32 $0x1BFF;
	s22 =	sshll.u32 s6, $0x1;
	s3 =	sadd.s32 s20, s19  }
0x1a: {  	s7 =	simm.s32 $0x0;
	s21 =	sshll.u32 s5, $0x1;
	s5 =	sadd.s32 s22, s3  }
0x1b: {  	[timem:s7], [sflag:s23] =	dma.local [hbm:s5], s21  }
0x1c: {  	_ =	swait.ge [sflag:s23], s21  }
0x1d: {  	s4 =	ssub.s32 $0x0, s21;
	[sflag:s23] =	ssyncset.done $0x0  }
0x1e: {  	[sflag:s23] =	ssyncadd.s32 s4;
	_ =	sdelay $0x1  }
0x1f: {  	s24 =	simm.s32 $0x1B8B  }
0x20: {  	_ =	swait.ge [sflag:s24], $0x1  }
0x21: {  	[sflag:s24] =	ssyncset.done $0x0  }
0x22: {  	s26 =	simm.s32 $0x1B8E;
	s25 =	sld [smem:$0x3FFE];
	[sflag:s24] =	ssyncadd.s32 $0xFFFFFFFF  }
0x23: {  	s27 =	simm.s32 $execute0_lowered;
	[smem:$0x3FD2] =	sst s26  }
0x24: {  	s5 =	sshll.u32 s27, $0x1;
	_ =	strace $0x80000049;
	[dreg:$0x1] =	wrdreg $0xFFFFFFFF  }
0x25: {  	s28 =	simm.s32 $_size_execute0_lowered;
	s3 =	sadd.s32 s3, s5;
	[dreg:$0x0] =	wrdreg $0x0  }
0x26: {  	s5 =	sshll.u32 s28, $0x1;
	[dreg:$0x2] =	wrdreg s3  }
0x27: {  	[dreg:$0x3] =	wrdreg s5  }
0x28: {  	[dreg:$0x4] =	wrdreg $0xC0  }
0x29: {  	_ =	task [dreg:s7], $0x5FFFF  }
0x2a: {  	[dreg:$0x1] =	wrdreg $0xFFFFFFFF  }
0x2b: {  	[dreg:$0x0] =	wrdreg $0x60  }
0x2c: {  	[dreg:$0x2] =	wrdreg s25  }
0x2d: {  	[dreg:$0x3] =	wrdreg s17  }
0x2e: {  	[dreg:$0x4] =	wrdreg $0x9  }
0x2f: {  	_ =	task.clear_ibuf [dreg:s7], $0x5FFFF;
	_ =	strace $0x90000049  }
0x30: {  	s29 =	simm.s32 $0x9;
	_ =	strace $0x8000004B  }
0x31: {  	_ =	swait.ge [sflag:s29], $0x1  }
0x32: {  	[sflag:s29] =	ssyncadd.s32 $0xFFFFFFFF  }
0x33: {  	_ =	strace $0x9000004B  }
0x34: {  	_ =	sfence  }
0x35: {  	s30 =	sld [smem:$0x0];
	_ =	sdelay $0x2  }
0x36: {  	s31 =	sshll.u32 s1, $0xD;
	s1 =	sshrl.u32 s1, $0x2  }
0x37: {  	s3 =	sand.u32 $0x4000, s31;
	s1 =	sadd.s32 s1, s30  }
0x38: {  	s0 =	sor.u32 s3, s0;
	s1 =	sshll.u32 s1, $0x11  }
0x39: {  	s0 =	sor.u32 s1, s0  }
0x3a: {  	s0 =	sadd.s32 $0x8F2B, s0  }
0x3b: {  	[sflag:s0] =	ssyncadd.remote.s32 $0x1  }
0x3c: {  	_ =	sfence.sel $0xFFFF  }
0x3d: {  	[dreg:$0x0] =	wrdreg $0xFFFFFFFF;
	(pc) =	sbr.abs _section_cstart, $3  }
0x3e: {  	[dreg:$0x1] =	wrdreg $0xFFFFFFFF  }
0x3f: {  	_ =	task.clear_ibuf [dreg:s7], $0x2FFFF;
	_ =	strace $0x9FFFFFFF  }
0x40: {  	(tm) =	ssettm $0x7FFFFFFF  }
0x41: {  	_ =	shalt  }
tec
execute0_lowered:
.L_overlay_start_1:
0x0: {  	(tag) =	ssettag $0x1  }
0x1: {  	s1 =	rddreg [dreg:$0x0]  }
0x2: {  	s0 =	stileid.u32;
	s3 =	srdreg.scid  }
0x3: {  	_ =	strace $0x8000004A;
	s2 =	simm.s32 $0x1;
	s8 =	simm.s32 $0x2  }
0x4: {  	s15 =	simm.s32 $0x0;
	s16 =	simm.s32 $0x0;
	s10 =	simm.s32 $0x0  }
0x5: {  	s12 =	simm.s32 $0x0;
	s4 =	sshll.u32 s0, $0x4;
	s3 =	sshll.u32 s3, $0x8  }
.Ltmp0:
0x6: {  	s14 =	simm.s32 $0x0;
	s3 =	sor.u32 s4, s3;
	(pc) =	sbr.rel .LBB1_1-.Ltmp0, $4  }
0x7: {  	s24 =	simm.s32 $0x0;
	s1 =	sadd.s32 $0x1200, s1;
	s3 =	sand.u32 $0x180, s3  }
0x8: {  	[sflag:s2] =	ssyncpa.u1 $0x0;
	s7 =	sand.u32 $0x7, s0;
	s31 =	ssub.s32 $0x4E00, s3  }
0x9: {  	[dreg:$0x3] =	wrdreg s1;
	[sflag:s8] =	ssyncpa.u1 $0x0;
	s6 =	sshrl.u32 s31, $0x9  }
0xa: {  	s13 =	smov.u32 s7;
	s11 =	smov.u32 s3;
	s8 =	sadd.s32 $0x2, s6  }
.LBB1_7:
0xb: {  	s1 =	sshll.u32 s10, $0x3  }
0xc: {  	s2 =	sand.u32 $0x7F, s10;
	s1 =	sand.u32 $0xFFFFFC00, s1  }
0xd: {  	s2 =	sor.u32 s2, s1;
	s1 =	smulhi.u32 $0x342DA7F3, s1  }
0xe: {  	p0 =	sgt.s32 s10, $0x4E00;
	s0 =	smov.u32 s10  }
0xf: {  	s0 =	simm.s32 @!p0 $0x4E00;
	s23 =	smulhi.u32 $0x342DA7F3, s2;
	s1 =	sshrl.u32 s1, $0xC  }
0x10: {  	s0 =	sadd.s32 s18, s0;
	s5 =	smulhi.u32 $0x3333334, s1  }
0x11: {  	s25 =	smul.u32 $0x31100, s12;
	s4 =	sadd.s32 $0xFFFFB200, s0;
	s0 =	ssub.s32 $0x4E80, s0  }
0x12: {  	p0 =	sgt.s32 s4, $0x7F;
	s4 =	sshrl.u32 s23, $0xC;
	s5 =	smul.u32 $0x50, s5  }
0x13: {  	s26 =	rddreg [dreg:$0x1];
	s0 =	simm.s32 @p0 $0x0;
	s4 =	smul.u32 $0x4E80, s4  }
0x14: {  	s29 =	sor.u32 $0x8000, s19;
	s0 =	smul.u32 s0, s17;
	s1 =	ssub.s32 s1, s5  }
0x15: {  	s31 =	simm.s32 $0x27400;
	s2 =	ssub.s32 s2, s4;
	s1 =	smul.u32 $0x9D0, s1  }
0x16: {  	s0 =	smul.u32 $0x50, s0;
	s4 =	sadd.s32 s26, s25;
	s27 =	sand.u32 $0x7, s2  }
0x17: {  	s2 =	sshrl.u32 s2, $0x3;
	s28 =	sshll.u32 s27, $0x12;
	s1 =	sadd.s32 s1, s4  }
0x18: {  	s0 =	sand.u32 $0x3FFFFFF0, s0;
	s30 =	sor.u32 $0x400, s28;
	s1 =	sadd.s32 s2, s1  }
0x19: {  	[hbm4b:s1+s30] =	stream.strided.scatter [tilespmem:s29], [sflag:$0x2], s0, s31, s30, $0x20;
	[tilespmem:$0x10100] =	vst v63  }
.LBB1_8:
0x1a: {  	p0 =	slt.u32 s14, $0x2  }
0x1b: {  	s1 =	smov.u32 s16;
	s2 =	smov.u32 s15;
	p1 =	sgt.s32 @!p0 s16, $0x7  }
0x1c: {  	s0 =	sshra.s32 @!p0 s16, $0x1F;
	p2 =	sgt.s32 @!p0 s15, $0x4E00;
	s4 =	sshra.s32 @!p0 s15, $0x1F  }
0x1d: {  	p1 =	por !p1, p0;
	s0 =	sand.u32 @!p0 s0, s16;
	p2 =	por !p2, p0  }
0x1e: {  	s4 =	sand.u32 @!p0 s4, s15;
	s1 =	simm.s32 @p1 $0x7;
	s2 =	simm.s32 @p2 $0x4E00  }
0x1f: {  	s0 =	ssub.s32 @!p0 s1, s0;
	s1 =	ssub.s32 @!p0 s2, s4  }
0x20: {  	s2 =	sadd.s32 @!p0 $0xFFFFFFF9, s0;
	s0 =	ssub.s32 @!p0 $0x8, s0;
	s4 =	sadd.s32 @!p0 $0xFFFFB200, s1  }
0x21: {  	p1 =	sgt.s32 @!p0 s2, $0x0;
	s0 =	smul.u32 @!p0 $0x50, s0;
	p2 =	sgt.s32 @!p0 s4, $0x7F  }
0x22: {  	s1 =	ssub.s32 @!p0 $0x4E80, s1;
	p1 =	por !p1, p0;
	p2 =	por !p2, p0  }
0x23: {  	s0 =	simm.s32 @!p1 $0x0;
	s1 =	simm.s32 @!p2 $0x0  }
0x24: {  	s0 =	smul.u32 @!p0 s1, s0;
	s1 =	sadd.s32 $0x200, s11  }
0x25: {  	s5 =	smov.u32 s13;
	s4 =	sadd.s32 $0x8, s13;
	p1 =	sgt.s32 s1, $0x4E1F  }
0x26: {  	s5 =	smov.u32 @p1 s4  }
0x27: {  	s1 =	smov.u32 @p1 s3;
	p1 =	sgt.s32 s5, $0x7  }
0x28: {  	s5 =	smov.u32 @p1 s7;
	p1 =	sne.s32 s14, s8  }
.Ltmp1:
0x29: {  	s15 =	smov.u32 s10;
	(pc) =	sbr.rel @!p1 .LBB1_9-.Ltmp1, $4  }
0x2a: {  	s16 =	smov.u32 s12;
	s2 =	simm.s32 @!p0 $0x2;
	s0 =	sand.u32 @!p0 $0x3FFFFFF0, s0  }
0x2b: {  	s10 =	smov.u32 s11;
	s12 =	smov.u32 s13;
	_ =	swait.ge @!p0 [sflag:s2], s0  }
0x2c: {  	s0 =	ssub.s32 @!p0 $0x0, s0;
	s11 =	smov.u32 s1;
	[sflag:s2] =	ssyncset.done @!p0 $0x0  }
0x2d: {  	s14 =	sadd.s32 $0x1, s14;
	[sflag:s2] =	ssyncadd.s32 @!p0 s0;
	s13 =	smov.u32 s5  }
.LBB1_1:
0x2e: {  	p0 =	sgt.u32 s14, s6;
	s17 =	smov.u32 s13;
	s20 =	smov.u32 s11  }
0x2f: {  	s0 =	rddreg [dreg:$0x3];
	p1 =	sgt.s32 @!p0 s13, $0x7;
	s1 =	sand.u32 @!p0 $0x1FFFFFF, s11  }
0x30: {  	s19 =	sshra.s32 @!p0 s13, $0x1F;
	s21 =	sshra.s32 @!p0 s11, $0x1F;
	p1 =	por !p1, p0  }
0x31: {  	s18 =	smulhi.u32 @!p0 $0x1A36E2F, s1;
	s17 =	simm.s32 @p1 $0x7;
	p1 =	sgt.s32 @!p0 s11, $0x4DA0  }
0x32: {  	s19 =	sand.u32 @!p0 s19, s13;
	s21 =	sand.u32 @!p0 s21, s11;
	p1 =	por !p1, p0  }
0x33: {  	s17 =	ssub.s32 @!p0 s17, s19;
	s18 =	sshrl.u32 @!p0 s18, $0x7;
	s20 =	simm.s32 @p1 $0x4DA0  }
0x34: {  	s17 =	sadd.s32 @!p0 $0xFFFFFFF9, s17;
	s18 =	smul.u32 @!p0 $0x4E20, s18;
	s19 =	ssub.s32 @!p0 s20, s21  }
0x35: {  	p1 =	sgt.s32 @!p0 s17, $0x0;
	s17 =	sshll.u32 @!p0 s17, $0x7;
	s20 =	sadd.s32 @!p0 $0xFFFFB260, s19  }
0x36: {  	s21 =	smul.u32 @!p0 $0x4E200, s13;
	s19 =	ssub.s32 @!p0 $0x4E20, s19;
	p2 =	sgt.s32 @!p0 s20, $0x7F  }
0x37: {  	s17 =	ssub.s32 @!p0 $0x80, s17;
	p1 =	por !p1, p0;
	p2 =	por !p2, p0  }
0x38: {  	s20 =	sxor.u32 @!p0 $0xFFFFFFFF, s14;
	s17 =	simm.s32 @!p1 $0x0;
	s19 =	simm.s32 @!p2 $0x0  }
0x39: {  	s1 =	ssub.s32 @!p0 s1, s18;
	s18 =	sshll.u32 @!p0 s20, $0xE;
	s17 =	smul.u32 @!p0 s19, s17  }
0x3a: {  	s1 =	sshll.u32 @!p0 s1, $0x4;
	s18 =	sand.u32 @!p0 $0x4000, s18;
	s19 =	sadd.s32 @!p0 s0, s21  }
0x3b: {  	s1 =	sadd.s32 @!p0 s1, s19;
	s19 =	simm.s32 @!p0 $0x0;
	s17 =	sand.u32 @!p0 $0x3FFFFF80, s17  }
0x3c: {  	[tilespmem:s18], [sflag:$0x1] =	stream.linear.gather @!p0 [hbm4b:s1+s19], s17, $0x38;
	[tilespmem:$0x10100] =	vst v63  }
0x3d: {  	p0 =	seq.s32 s14, $0x0  }
0x3e: {  	p1 =	sge.u32 @!p0 s14, s8  }
0x3f: {  	p0 =	por p0, p1  }
.Ltmp2:
0x40: {  	_ = 	snop;
	(pc) =	sbr.rel @p0 .LBB1_8-.Ltmp2, $1  }
0x41: {  	_ =	sdelay $0x3  }
0x42: {  	p0 =	sgt.s32 s12, $0x7;
	s1 =	smov.u32 s12;
	s17 =	sshra.s32 s12, $0x1F  }
0x43: {  	s18 =	ssub.s32 $0x0, s10;
	s19 =	sshra.s32 s10, $0x1F;
	s20 =	smov.u32 s10  }
0x44: {  	s1 =	simm.s32 @!p0 $0x7;
	s17 =	sand.u32 s17, s12;
	p0 =	sgt.s32 s10, $0x4DA0  }
0x45: {  	s18 =	sand.u32 s18, s19;
	s1 =	ssub.s32 s1, s17;
	s20 =	simm.s32 @!p0 $0x4DA0  }
0x46: {  	s17 =	sadd.s32 $0xFFFFFFF9, s1;
	s19 =	sadd.s32 s18, s20  }
0x47: {  	p0 =	sgt.s32 s17, $0x0;
	s20 =	sadd.s32 $0xFFFFB260, s19  }
0x48: {  	s17 =	ssub.s32 $0x8, s1;
	s1 =	ssub.s32 $0x4E20, s19;
	s19 =	sadd.s32 $0x1, s12  }
0x49: {  	s21 =	sadd.s32 $0x80, s10;
	s17 =	simm.s32 @p0 $0x0;
	p0 =	slt.s32 s19, $0x8  }
0x4a: {  	s19 =	simm.s32 @!p0 $0x8;
	p0 =	slt.s32 s21, $0x4E20  }
0x4b: {  	p1 =	sgt.s32 s20, $0x7F;
	s20 =	ssub.s32 s19, s12;
	s21 =	simm.s32 @!p0 $0x4E20  }
0x4c: {  	s1 =	simm.s32 @p1 $0x0;
	s21 =	ssub.s32 s21, s10;
	p0 =	slt.s32 s20, $0x1  }
0x4d: {  	s1 =	smul.u32 s1, s17;
	p1 =	slt.s32 @!p0 s21, $0x1  }
0x4e: {  	p1 =	por p0, p1  }
.Ltmp3:
0x4f: {  	s1 =	sshll.u32 s1, $0x7;
	(pc) =	sbr.rel @p1 .LBB1_7-.Ltmp3, $4  }
0x50: {  	s0 =	simm.s32 $0x1;
	s31 =	sand.u32 $0x3FFFFF80, s1  }
0x51: {  	_ =	swait.ge [sflag:s0], s31  }
0x52: {  	s1 =	sand.u32 $0x1, s14;
	s19 =	ssub.s32 $0x0, s31;
	[sflag:s0] =	ssyncset.done $0x0  }
0x53: {  	[sflag:s0] =	ssyncadd.s32 s19;
	s19 =	smul.u32 $0x4080, s1  }
0x54: {  	_ = 	snop  }
0x55: {  	s22 =	sshll.u32 @!p0 s1, $0xE;
	s25 =	simm.s32 $0x0;
	s23 =	sor.u32 @!p0 $0x8000, s19  }
.LBB1_4:
0x56: {  	s1 =	sshll.u32 s25, $0x10  }
0x57: {  	s26 =	smul.u32 $0x10200, s25;
	s1 =	sshra.s32 s1, $0x2  }
0x58: {  	s27 =	simm.s32 $0x1;
	s29 =	simm.s32 $0x10;
	s1 =	sadd.s32 s1, s22  }
0x59: {  	s9 =	simm.s32 $0x0;
	s30 =	simm.s32 $0x20;
	s29 =	sand.u32 $0x78, s29;
	v0 =	vmov s1  }
0x5a: {  	s0 =	simm.s32 $0x30;
	s30 =	sand.u32 $0x78, s30;
	s29 =	smul.u32 $0x204, s29  }
0x5b: {  	p0 =	sne.s32 s21, $0x1;
	s0 =	sand.u32 $0x78, s0;
	s30 =	smul.u32 $0x204, s30  }
0x5c: {  	s28 =	sand.u32 $0x3F80, s24;
	s0 =	smul.u32 $0x204, s0;
	s1 =	sand.u32 $0x78, s9  }
0x5d: {  	s26 =	sshra.s32 s26, $0x2;
	s31 =	sxor.u32 $0x40, s1;
	s1 =	smul.u32 $0x204, s1  }
0x5e: {  	s2 =	sand.u32 $0x7F, s24;
	s26 =	sadd.s32 s26, s23;
	s31 =	smul.u32 $0x204, s31;
	v3 =	vld.idx.msk [tilespmem:v0+s28+$0x40 ss:$0x1], $0xffff  }
0x5f: {  	s29 =	sshrl.u32 s29, $0x2;
	s30 =	sshrl.u32 s30, $0x2;
	s0 =	sshrl.u32 s0, $0x2;
	v4 =	vld.idx.msk [tilespmem:v0+s28+$0x0 ss:$0x1], $0xffff  }
.Ltmp4:
0x60: {  	s29 =	sadd.s32 s29, s26;
	s31 =	sshrl.u32 s31, $0x2;
	(pc) =	sbr.rel @!p0 .LBB1_6-.Ltmp4, $4  }
0x61: {  	s30 =	sadd.s32 s30, s26;
	s1 =	sshrl.u32 s1, $0x2;
	s31 =	sadd.s32 s31, s26;
	v1 =	vld.idx.msk [tilespmem:v0+s28+$0x10 ss:$0x1], $0xffff  }
0x62: {  	s0 =	sadd.s32 s0, s26;
	s1 =	sadd.s32 s1, s26;
	s31 =	sadd.s32 s2, s31  }
0x63: {  	s9 =	sadd.s32 s2, s1;
	v2 =	vld.idx.msk [tilespmem:v0+s28+$0x20 ss:$0x1], $0xffff;
	s1 =	sadd.s32 s2, s29;
	s29 =	simm.s32 $0x0;
	[tilespmem:s31+$0x0 ss:$0x81] =	vst.msk $0xffff, v3  }
0x64: {  	s31 =	sadd.s32 s2, s30;
	v3 =	vld.idx.msk [tilespmem:v0+s28+$0x30 ss:$0x1], $0xffff;
	[tilespmem:s9+$0x0 ss:$0x81] =	vst.msk $0xffff, v4;
	s30 =	sadd.s32 s2, s0;
	s28 =	simm.s32 $0x1808  }
.LBB1_5:
0x65: {  	s0 =	sadd.s32 $0xFFFFE800, s28  }
0x66: {  	s2 =	sadd.s32 $0xFFFFF000, s28;
	[tilespmem:s1+$0x0 ss:$0x81] =	vst.msk $0xffff, v1;
	s1 =	smov.u32 s27;
	s27 =	sadd.s32 $0x1, s27  }
0x67: {  	s29 =	sadd.s32 $0x80, s29;
	s4 =	sshrl.u32 s28, $0x7;
	s0 =	sshrl.u32 s0, $0x7  }
0x68: {  	p0 =	sne.s32 s21, s27;
	[tilespmem:s31+$0x0 ss:$0x81] =	vst.msk $0xffff, v2;
	s9 =	sand.u32 $0x3F80, s29;
	s31 =	sadd.s32 $0xFFFFF800, s28  }
0x69: {  	s2 =	sshrl.u32 s2, $0x7;
	s4 =	sand.u32 $0x78, s4;
	s0 =	sand.u32 $0x78, s0;
	[tilespmem:s30+$0x0 ss:$0x81] =	vst.msk $0xffff, v3  }
0x6a: {  	s30 =	sshrl.u32 s31, $0x7;
	s4 =	smul.u32 $0x204, s4;
	v4 =	vld.idx.msk [tilespmem:v0+s9+$0x40 ss:$0x1], $0xffff;
	s31 =	sxor.u32 $0x40, s0  }
0x6b: {  	s2 =	sand.u32 $0x78, s2;
	v5 =	vld.idx.msk [tilespmem:v0+s9+$0x0 ss:$0x1], $0xffff;
	s31 =	smul.u32 $0x204, s31  }
0x6c: {  	s0 =	smul.u32 $0x204, s0;
	s30 =	sand.u32 $0x78, s30;
	v1 =	vld.idx.msk [tilespmem:v0+s9+$0x10 ss:$0x1], $0xffff  }
0x6d: {  	s2 =	smul.u32 $0x204, s2;
	v2 =	vld.idx.msk [tilespmem:v0+s9+$0x20 ss:$0x1], $0xffff;
	s31 =	sshrl.u32 s31, $0x2  }
0x6e: {  	s5 =	sand.u32 $0x7F, s1;
	s1 =	smul.u32 $0x204, s30;
	v3 =	vld.idx.msk [tilespmem:v0+s9+$0x30 ss:$0x1], $0xffff;
	s9 =	sadd.s32 s31, s26  }
.Ltmp5:
0x6f: {  	s0 =	sshrl.u32 s0, $0x2;
	s9 =	sadd.s32 s5, s9;
	(pc) =	sbr.rel @p0 .LBB1_5-.Ltmp5, $4  }
0x70: {  	s2 =	sshrl.u32 s2, $0x2;
	s0 =	sadd.s32 s0, s26;
	s1 =	sshrl.u32 s1, $0x2;
	[tilespmem:s9+$0x0 ss:$0x81] =	vst.msk $0xffff, v4  }
0x71: {  	s4 =	sshrl.u32 s4, $0x2;
	s2 =	sadd.s32 s2, s26;
	s9 =	sadd.s32 s1, s26  }
0x72: {  	s0 =	sadd.s32 s5, s0;
	s1 =	sadd.s32 s5, s2;
	s2 =	sadd.s32 s4, s26  }
0x73: {  	s28 =	sadd.s32 $0x8, s28;
	s31 =	sadd.s32 s5, s9;
	s30 =	sadd.s32 s5, s2;
	[tilespmem:s0+$0x0 ss:$0x81] =	vst.msk $0xffff, v5  }
.LBB1_6:
0x74: {  	s25 =	sadd.s32 $0x1, s25  }
0x75: {  	p0 =	sne.s32 s25, s20  }
.Ltmp6:
0x76: {  	_ = 	snop;
	(pc) =	sbr.rel @p0 .LBB1_4-.Ltmp6, $4  }
.Ltmp7:
0x77: {  	_ = 	snop;
	(pc) =	sbr.rel @!p0 .LBB1_7-.Ltmp7, $4  }
0x78: {  	[tilespmem:s1+$0x0 ss:$0x81] =	vst.msk $0xffff, v1  }
0x79: {  	[tilespmem:s31+$0x0 ss:$0x81] =	vst.msk $0xffff, v2  }
0x7a: {  	[tilespmem:s30+$0x0 ss:$0x81] =	vst.msk $0xffff, v3  }
0x7b: {  	_ = 	snop  }
.LBB1_9:
0x7c: {  	_ =	sfence.sel $0x180000  }
0x7d: {  	s0 =	simm.s32 $0x1;
	[bflag:$0x0] =	sbarrier.arrive $0xFFFF  }
0x7e: {  	s30 =	simm.s32 $0x2;
	[sflag:s0] =	ssyncpa.u1 $0x1  }
0x7f: {  	[sflag:s30] =	ssyncpa.u1 $0x1  }
0x80: {  	_ =	strace $0x9000004A  }
0x81: {  	s31 =	stileid.u32;
	[bflag:$0x2] =	sbarrier.arrive $0xFFFF  }
0x82: {  	p0 =	sne.s32 s31, $0x0;
	s0 =	rddreg [dreg:$0x2]  }
0x83: {  	s0 =	sadd.s32 @!p0 $0x100000, s0  }
0x84: {  	[sflag:s0] =	ssyncadd.tile.s32 @!p0 $0x1;
	_ =	shalt  }
.Lfunc_end1:
_tile_overlayer_lowered:
.L_overlay_start_2:
0x85: {  	(tag) =	ssettag $0x2  }
0x86: {  	s0 =	rddreg [dreg:$0x0];
	s2 =	stileid.u32  }
0x87: {  	s1 =	rddreg [dreg:$0x1];
	p0 =	sne.s32 s2, $0x0  }
0x88: {  	s3 =	rddreg [dreg:$0x2];
	[bflag:$0x3] =	sbarrier.arrive $0xFFFF;
	s2 =	simm.s32 @!p0 $0x1C01  }
0x89: {  	[timem:s3], [sflag:s2] =	dma.local @!p0 [hbm:s0], s1  }
0x8a: {  	s0 =	simm.s32 @!p0 $0x1  }
0x8b: {  	_ =	swait.ge @!p0 [sflag:s0], s1  }
0x8c: {  	s1 =	ssub.s32 @!p0 $0x0, s1;
	[sflag:s0] =	ssyncset.done @!p0 $0x0  }
0x8d: {  	[sflag:s0] =	ssyncadd.s32 @!p0 s1  }
0x8e: {  	[bflag:$0x3] =	sbarrier.arrive $0xFFFF  }
0x8f: {  	_ =	shalt  }

</sc_bundles>
